<compile_context>
chip_gen: v7x
topology: tpu7x:2x2x1
jax: 0.10.2.dev20260603
libtpu: 0.0.44.dev20260713+nightly
codegen_flags: <defaults>
</compile_context>

<pallas_src>
import jax
import jax.numpy as jnp
from jax import lax
from jax.experimental import pallas as pl
from jax.experimental.pallas import tpu as pltpu
from jax.experimental.pallas import tpu_sc as plsc

_B, _N, _M = 2, 4096, 4096
_NC = 2
_NS = 16
_W = 256
_K = 64
_NV = _W // 16
_NCH = _N // _K


def _sc_cumsum(x_hbm, out_hbm, in0, in1, ou0, ou1, carry, si0, si1, so0, so1):
    wid = lax.axis_index("s") * _NC + lax.axis_index("c")
    b = wid // (_M // _W)
    c0 = (wid % (_M // _W)) * _W

    in_bufs = (in0, in1)
    out_bufs = (ou0, ou1)
    in_sems = (si0, si1)
    out_sems = (so0, so1)

    def in_slice(i):
        return x_hbm.at[b, pl.ds(i * _K, _K), pl.ds(c0, _W)]

    def out_slice(i):
        return out_hbm.at[b, pl.ds(i * _K, _K), pl.ds(c0, _W)]

    for v in range(_NV):
        carry[0, pl.ds(16 * v, 16)] = jnp.zeros((16,), jnp.float32)

    pltpu.async_copy(in_slice(0), in0, si0)
    pltpu.async_copy(in_slice(1), in1, si1)

    @pl.loop(0, _NCH, step=2)
    def _pair(i):
        for s in range(2):
            ch = i + s
            ib, ob = in_bufs[s], out_bufs[s]
            isem, osem = in_sems[s], out_sems[s]

            pltpu.make_async_copy(in_slice(ch), ib, isem).wait()

            @pl.when(ch >= 2)
            def _():
                pltpu.make_async_copy(ob, out_slice(ch - 2), osem).wait()

            accs = tuple(carry[0, pl.ds(16 * v, 16)] for v in range(_NV))

            def body(r, accs):
                new = []
                for v in range(_NV):
                    a = accs[v] + ib[r, pl.ds(16 * v, 16)]
                    ob[r, pl.ds(16 * v, 16)] = a
                    new.append(a)
                return tuple(new)

            accs = lax.fori_loop(0, _K, body, accs)
            for v in range(_NV):
                carry[0, pl.ds(16 * v, 16)] = accs[v]

            pltpu.async_copy(ob, out_slice(ch), osem)

            @pl.when(ch + 2 < _NCH)
            def _():
                pltpu.async_copy(in_slice(ch + 2), ib, isem)

    pltpu.make_async_copy(ou0, out_slice(_NCH - 2), so0).wait()
    pltpu.make_async_copy(ou1, out_slice(_NCH - 1), so1).wait()


def kernel(inputs):
    k = pl.kernel(
        _sc_cumsum,
        out_type=jax.ShapeDtypeStruct((_B, _N, _M), jnp.float32),
        mesh=plsc.VectorSubcoreMesh(core_axis_name="c", subcore_axis_name="s"),
        scratch_types=[
            pltpu.VMEM((_K, _W), jnp.float32),
            pltpu.VMEM((_K, _W), jnp.float32),
            pltpu.VMEM((_K, _W), jnp.float32),
            pltpu.VMEM((_K, _W), jnp.float32),
            pltpu.VMEM((1, _W), jnp.float32),
            pltpu.SemaphoreType.DMA,
            pltpu.SemaphoreType.DMA,
            pltpu.SemaphoreType.DMA,
            pltpu.SemaphoreType.DMA,
        ],
    )
    return k(inputs)

# --- scband reference (transcript-rebuilt; emitter-appended) ---
"""Pipeline reference for scband-cumsum-37417755083011 (READ-ONLY COPY).

The authoritative reference and input builder live on the scoring server;
editing this copy changes nothing except your own understanding.
"""

import jax, jax.numpy as jnp
import numpy as np

def setup_inputs(seed: int = 0) -> dict:
    key = jax.random.key(seed)
    x = jax.random.normal(key, (2, 4096, 4096), dtype=jnp.float32)
    return {"inputs": x}

def reference(inputs):
    return jnp.cumsum(inputs, axis=1)

if __name__ == "__main__":
    import jax
    _d = setup_inputs()
    print(jax.jit(kernel)(*tuple(_d.values())))

</pallas_src>

<mosaic_0001>
#map = affine_map<(d0, d1) -> (0, 0, 0)>
module attributes {stable_mosaic.version = 14 : i64} {
  func.func @_sc_cumsum(%arg0: i32, %arg1: i32, %arg2: memref<2x4096x4096xf32, #tpu.memory_space<hbm>>, %arg3: memref<2x4096x4096xf32, #tpu.memory_space<hbm>>, %arg4: memref<64x256xf32, #tpu.memory_space<vmem>>, %arg5: memref<64x256xf32, #tpu.memory_space<vmem>>, %arg6: memref<64x256xf32, #tpu.memory_space<vmem>>, %arg7: memref<64x256xf32, #tpu.memory_space<vmem>>, %arg8: memref<1x256xf32, #tpu.memory_space<vmem>>, %arg9: memref<!tpu.dma_semaphore, #tpu.memory_space<semaphore_mem>>, %arg10: memref<!tpu.dma_semaphore, #tpu.memory_space<semaphore_mem>>, %arg11: memref<!tpu.dma_semaphore, #tpu.memory_space<semaphore_mem>>, %arg12: memref<!tpu.dma_semaphore, #tpu.memory_space<semaphore_mem>>) attributes {dimension_semantics = [#tpu.dimension_semantics<core_parallel>, #tpu.dimension_semantics<subcore_parallel>], iteration_bounds = array<i64: 2, 16>, scalar_prefetch = 0 : i64, scratch_operands = 9 : i64, tpu.core_type = #tpu.core_type<sc_vector_subcore>, window_params = [{transform_indices = #map}, {transform_indices = #map}]} {
    %mul3A = arith.constant 2 : i32
    %mul3A_0 = arith.muli %arg1, %mul3A : i32
    %add3A = arith.addi %mul3A_0, %arg0 : i32
    %jit3A = arith.constant 16 : i32
    %div3A = arith.divsi %add3A, %jit3A : i32
    %sign3A = arith.constant 0 : i32
    %sign3A_1 = arith.cmpi sgt, %add3A, %sign3A : i32
    %sign3A_2 = arith.extui %sign3A_1 : i1 to i32
    %sign3A_3 = arith.constant 0 : i32
    %sign3A_4 = arith.cmpi slt, %add3A, %sign3A_3 : i32
    %sign3A_5 = arith.extui %sign3A_4 : i1 to i32
    %sign3A_6 = arith.subi %sign3A_2, %sign3A_5 : i32
    %sign3A_7 = arith.constant 0 : i32
    %sign3A_8 = arith.cmpi sgt, %jit3A, %sign3A_7 : i32
    %sign3A_9 = arith.extui %sign3A_8 : i1 to i32
    %sign3A_10 = arith.constant 0 : i32
    %sign3A_11 = arith.cmpi slt, %jit3A, %sign3A_10 : i32
    %sign3A_12 = arith.extui %sign3A_11 : i1 to i32
    %sign3A_13 = arith.subi %sign3A_9, %sign3A_12 : i32
    %ne3A = arith.cmpi ne, %sign3A_6, %sign3A_13 : i32
    %rem3A = arith.remsi %add3A, %jit3A : i32
    %ne3A_14 = arith.constant 0 : i32
    %ne3A_15 = arith.cmpi ne, %rem3A, %ne3A_14 : i32
    %and3A = arith.andi %ne3A, %ne3A_15 : i1
    %sub3A = arith.constant 1 : i32
    %sub3A_16 = arith.subi %div3A, %sub3A : i32
    %select_n3A = arith.select %and3A, %sub3A_16, %div3A : i32
    %jit3A_17 = arith.constant 16 : i32
    %eq3A = arith.constant 0 : i32
    %eq3A_18 = arith.cmpi eq, %jit3A_17, %eq3A : i32
    %jit3A_19 = arith.constant 1 : i32
    %select_n3A_20 = arith.select %eq3A_18, %jit3A_19, %jit3A_17 : i32
    %rem3A_21 = arith.remsi %add3A, %select_n3A_20 : i32
    %ne3A_22 = arith.constant 0 : i32
    %ne3A_23 = arith.cmpi ne, %rem3A_21, %ne3A_22 : i32
    %lt3A = arith.constant 0 : i32
    %lt3A_24 = arith.cmpi slt, %rem3A_21, %lt3A : i32
    %lt3A_25 = arith.constant 0 : i32
    %lt3A_26 = arith.cmpi slt, %select_n3A_20, %lt3A_25 : i32
    %ne3A_27 = arith.xori %lt3A_24, %lt3A_26 : i1
    %and3A_28 = arith.andi %ne3A_27, %ne3A_23 : i1
    %add3A_29 = arith.addi %rem3A_21, %select_n3A_20 : i32
    %select_n3A_30 = arith.select %and3A_28, %add3A_29, %rem3A_21 : i32
    %mul3A_31 = arith.constant 256 : i32
    %mul3A_32 = arith.muli %select_n3A_30, %mul3A_31 : i32
    %broadcast_in_dim3A = arith.constant 0.000000e+00 : f32
    %broadcast_in_dim3A_33 = vector.broadcast %broadcast_in_dim3A : f32 to vector<16xf32>
    %swap3A = arith.constant 0 : i32
    %swap3A_34 = arith.index_cast %swap3A : i32 to index
    %swap3A_35 = arith.constant 0 : index
    %swap3A_36 = tpu.vector_load %arg8[%swap3A_34, %swap3A_35] {strides = array<i32>} : memref<1x256xf32, #tpu.memory_space<vmem>>, vector<1x16xf32>,
    %swap3A_37 = vector.shape_cast %swap3A_36 : vector<1x16xf32> to vector<16xf32>
    %swap3A_38 = vector.shape_cast %broadcast_in_dim3A_33 : vector<16xf32> to vector<1x16xf32>
    tpu.vector_store %arg8[%swap3A_34, %swap3A_35], %swap3A_38 {strides = array<i32>} : memref<1x256xf32, #tpu.memory_space<vmem>>, vector<1x16xf32>,
    %broadcast_in_dim3A_39 = arith.constant 0.000000e+00 : f32
    %broadcast_in_dim3A_40 = vector.broadcast %broadcast_in_dim3A_39 : f32 to vector<16xf32>
    %swap3A_41 = arith.constant 0 : i32
    %swap3A_42 = arith.index_cast %swap3A_41 : i32 to index
    %swap3A_43 = arith.constant 16 : index
    %swap3A_44 = tpu.vector_load %arg8[%swap3A_42, %swap3A_43] {strides = array<i32>} : memref<1x256xf32, #tpu.memory_space<vmem>>, vector<1x16xf32>,
    %swap3A_45 = vector.shape_cast %swap3A_44 : vector<1x16xf32> to vector<16xf32>
    %swap3A_46 = vector.shape_cast %broadcast_in_dim3A_40 : vector<16xf32> to vector<1x16xf32>
    tpu.vector_store %arg8[%swap3A_42, %swap3A_43], %swap3A_46 {strides = array<i32>} : memref<1x256xf32, #tpu.memory_space<vmem>>, vector<1x16xf32>,
    %broadcast_in_dim3A_47 = arith.constant 0.000000e+00 : f32
    %broadcast_in_dim3A_48 = vector.broadcast %broadcast_in_dim3A_47 : f32 to vector<16xf32>
    %swap3A_49 = arith.constant 0 : i32
    %swap3A_50 = arith.index_cast %swap3A_49 : i32 to index
    %swap3A_51 = arith.constant 32 : index
    %swap3A_52 = tpu.vector_load %arg8[%swap3A_50, %swap3A_51] {strides = array<i32>} : memref<1x256xf32, #tpu.memory_space<vmem>>, vector<1x16xf32>,
    %swap3A_53 = vector.shape_cast %swap3A_52 : vector<1x16xf32> to vector<16xf32>
    %swap3A_54 = vector.shape_cast %broadcast_in_dim3A_48 : vector<16xf32> to vector<1x16xf32>
    tpu.vector_store %arg8[%swap3A_50, %swap3A_51], %swap3A_54 {strides = array<i32>} : memref<1x256xf32, #tpu.memory_space<vmem>>, vector<1x16xf32>,
    %broadcast_in_dim3A_55 = arith.constant 0.000000e+00 : f32
    %broadcast_in_dim3A_56 = vector.broadcast %broadcast_in_dim3A_55 : f32 to vector<16xf32>
    %swap3A_57 = arith.constant 0 : i32
    %swap3A_58 = arith.index_cast %swap3A_57 : i32 to index
    %swap3A_59 = arith.constant 48 : index
    %swap3A_60 = tpu.vector_load %arg8[%swap3A_58, %swap3A_59] {strides = array<i32>} : memref<1x256xf32, #tpu.memory_space<vmem>>, vector<1x16xf32>,
    %swap3A_61 = vector.shape_cast %swap3A_60 : vector<1x16xf32> to vector<16xf32>
    %swap3A_62 = vector.shape_cast %broadcast_in_dim3A_56 : vector<16xf32> to vector<1x16xf32>
    tpu.vector_store %arg8[%swap3A_58, %swap3A_59], %swap3A_62 {strides = array<i32>} : memref<1x256xf32, #tpu.memory_space<vmem>>, vector<1x16xf32>,
    %broadcast_in_dim3A_63 = arith.constant 0.000000e+00 : f32
    %broadcast_in_dim3A_64 = vector.broadcast %broadcast_in_dim3A_63 : f32 to vector<16xf32>
    %swap3A_65 = arith.constant 0 : i32
    %swap3A_66 = arith.index_cast %swap3A_65 : i32 to index
    %swap3A_67 = arith.constant 64 : index
    %swap3A_68 = tpu.vector_load %arg8[%swap3A_66, %swap3A_67] {strides = array<i32>} : memref<1x256xf32, #tpu.memory_space<vmem>>, vector<1x16xf32>,
    %swap3A_69 = vector.shape_cast %swap3A_68 : vector<1x16xf32> to vector<16xf32>
    %swap3A_70 = vector.shape_cast %broadcast_in_dim3A_64 : vector<16xf32> to vector<1x16xf32>
    tpu.vector_store %arg8[%swap3A_66, %swap3A_67], %swap3A_70 {strides = array<i32>} : memref<1x256xf32, #tpu.memory_space<vmem>>, vector<1x16xf32>,
    %broadcast_in_dim3A_71 = arith.constant 0.000000e+00 : f32
    %broadcast_in_dim3A_72 = vector.broadcast %broadcast_in_dim3A_71 : f32 to vector<16xf32>
    %swap3A_73 = arith.constant 0 : i32
    %swap3A_74 = arith.index_cast %swap3A_73 : i32 to index
    %swap3A_75 = arith.constant 80 : index
    %swap3A_76 = tpu.vector_load %arg8[%swap3A_74, %swap3A_75] {strides = array<i32>} : memref<1x256xf32, #tpu.memory_space<vmem>>, vector<1x16xf32>,
    %swap3A_77 = vector.shape_cast %swap3A_76 : vector<1x16xf32> to vector<16xf32>
    %swap3A_78 = vector.shape_cast %broadcast_in_dim3A_72 : vector<16xf32> to vector<1x16xf32>
    tpu.vector_store %arg8[%swap3A_74, %swap3A_75], %swap3A_78 {strides = array<i32>} : memref<1x256xf32, #tpu.memory_space<vmem>>, vector<1x16xf32>,
    %broadcast_in_dim3A_79 = arith.constant 0.000000e+00 : f32
    %broadcast_in_dim3A_80 = vector.broadcast %broadcast_in_dim3A_79 : f32 to vector<16xf32>
    %swap3A_81 = arith.constant 0 : i32
    %swap3A_82 = arith.index_cast %swap3A_81 : i32 to index
    %swap3A_83 = arith.constant 96 : index
    %swap3A_84 = tpu.vector_load %arg8[%swap3A_82, %swap3A_83] {strides = array<i32>} : memref<1x256xf32, #tpu.memory_space<vmem>>, vector<1x16xf32>,
    %swap3A_85 = vector.shape_cast %swap3A_84 : vector<1x16xf32> to vector<16xf32>
    %swap3A_86 = vector.shape_cast %broadcast_in_dim3A_80 : vector<16xf32> to vector<1x16xf32>
    tpu.vector_store %arg8[%swap3A_82, %swap3A_83], %swap3A_86 {strides = array<i32>} : memref<1x256xf32, #tpu.memory_space<vmem>>, vector<1x16xf32>,
    %broadcast_in_dim3A_87 = arith.constant 0.000000e+00 : f32
    %broadcast_in_dim3A_88 = vector.broadcast %broadcast_in_dim3A_87 : f32 to vector<16xf32>
    %swap3A_89 = arith.constant 0 : i32
    %swap3A_90 = arith.index_cast %swap3A_89 : i32 to index
    %swap3A_91 = arith.constant 112 : index
    %swap3A_92 = tpu.vector_load %arg8[%swap3A_90, %swap3A_91] {strides = array<i32>} : memref<1x256xf32, #tpu.memory_space<vmem>>, vector<1x16xf32>,
    %swap3A_93 = vector.shape_cast %swap3A_92 : vector<1x16xf32> to vector<16xf32>
    %swap3A_94 = vector.shape_cast %broadcast_in_dim3A_88 : vector<16xf32> to vector<1x16xf32>
    tpu.vector_store %arg8[%swap3A_90, %swap3A_91], %swap3A_94 {strides = array<i32>} : memref<1x256xf32, #tpu.memory_space<vmem>>, vector<1x16xf32>,
    %broadcast_in_dim3A_95 = arith.constant 0.000000e+00 : f32
    %broadcast_in_dim3A_96 = vector.broadcast %broadcast_in_dim3A_95 : f32 to vector<16xf32>
    %swap3A_97 = arith.constant 0 : i32
    %swap3A_98 = arith.index_cast %swap3A_97 : i32 to index
    %swap3A_99 = arith.constant 128 : index
    %swap3A_100 = tpu.vector_load %arg8[%swap3A_98, %swap3A_99] {strides = array<i32>} : memref<1x256xf32, #tpu.memory_space<vmem>>, vector<1x16xf32>,
    %swap3A_101 = vector.shape_cast %swap3A_100 : vector<1x16xf32> to vector<16xf32>
    %swap3A_102 = vector.shape_cast %broadcast_in_dim3A_96 : vector<16xf32> to vector<1x16xf32>
    tpu.vector_store %arg8[%swap3A_98, %swap3A_99], %swap3A_102 {strides = array<i32>} : memref<1x256xf32, #tpu.memory_space<vmem>>, vector<1x16xf32>,
    %broadcast_in_dim3A_103 = arith.constant 0.000000e+00 : f32
    %broadcast_in_dim3A_104 = vector.broadcast %broadcast_in_dim3A_103 : f32 to vector<16xf32>
    %swap3A_105 = arith.constant 0 : i32
    %swap3A_106 = arith.index_cast %swap3A_105 : i32 to index
    %swap3A_107 = arith.constant 144 : index
    %swap3A_108 = tpu.vector_load %arg8[%swap3A_106, %swap3A_107] {strides = array<i32>} : memref<1x256xf32, #tpu.memory_space<vmem>>, vector<1x16xf32>,
    %swap3A_109 = vector.shape_cast %swap3A_108 : vector<1x16xf32> to vector<16xf32>
    %swap3A_110 = vector.shape_cast %broadcast_in_dim3A_104 : vector<16xf32> to vector<1x16xf32>
    tpu.vector_store %arg8[%swap3A_106, %swap3A_107], %swap3A_110 {strides = array<i32>} : memref<1x256xf32, #tpu.memory_space<vmem>>, vector<1x16xf32>,
    %broadcast_in_dim3A_111 = arith.constant 0.000000e+00 : f32
    %broadcast_in_dim3A_112 = vector.broadcast %broadcast_in_dim3A_111 : f32 to vector<16xf32>
    %swap3A_113 = arith.constant 0 : i32
    %swap3A_114 = arith.index_cast %swap3A_113 : i32 to index
    %swap3A_115 = arith.constant 160 : index
    %swap3A_116 = tpu.vector_load %arg8[%swap3A_114, %swap3A_115] {strides = array<i32>} : memref<1x256xf32, #tpu.memory_space<vmem>>, vector<1x16xf32>,
    %swap3A_117 = vector.shape_cast %swap3A_116 : vector<1x16xf32> to vector<16xf32>
    %swap3A_118 = vector.shape_cast %broadcast_in_dim3A_112 : vector<16xf32> to vector<1x16xf32>
    tpu.vector_store %arg8[%swap3A_114, %swap3A_115], %swap3A_118 {strides = array<i32>} : memref<1x256xf32, #tpu.memory_space<vmem>>, vector<1x16xf32>,
    %broadcast_in_dim3A_119 = arith.constant 0.000000e+00 : f32
    %broadcast_in_dim3A_120 = vector.broadcast %broadcast_in_dim3A_119 : f32 to vector<16xf32>
    %swap3A_121 = arith.constant 0 : i32
    %swap3A_122 = arith.index_cast %swap3A_121 : i32 to index
    %swap3A_123 = arith.constant 176 : index
    %swap3A_124 = tpu.vector_load %arg8[%swap3A_122, %swap3A_123] {strides = array<i32>} : memref<1x256xf32, #tpu.memory_space<vmem>>, vector<1x16xf32>,
    %swap3A_125 = vector.shape_cast %swap3A_124 : vector<1x16xf32> to vector<16xf32>
    %swap3A_126 = vector.shape_cast %broadcast_in_dim3A_120 : vector<16xf32> to vector<1x16xf32>
    tpu.vector_store %arg8[%swap3A_122, %swap3A_123], %swap3A_126 {strides = array<i32>} : memref<1x256xf32, #tpu.memory_space<vmem>>, vector<1x16xf32>,
    %broadcast_in_dim3A_127 = arith.constant 0.000000e+00 : f32
    %broadcast_in_dim3A_128 = vector.broadcast %broadcast_in_dim3A_127 : f32 to vector<16xf32>
    %swap3A_129 = arith.constant 0 : i32
    %swap3A_130 = arith.index_cast %swap3A_129 : i32 to index
    %swap3A_131 = arith.constant 192 : index
    %swap3A_132 = tpu.vector_load %arg8[%swap3A_130, %swap3A_131] {strides = array<i32>} : memref<1x256xf32, #tpu.memory_space<vmem>>, vector<1x16xf32>,
    %swap3A_133 = vector.shape_cast %swap3A_132 : vector<1x16xf32> to vector<16xf32>
    %swap3A_134 = vector.shape_cast %broadcast_in_dim3A_128 : vector<16xf32> to vector<1x16xf32>
    tpu.vector_store %arg8[%swap3A_130, %swap3A_131], %swap3A_134 {strides = array<i32>} : memref<1x256xf32, #tpu.memory_space<vmem>>, vector<1x16xf32>,
    %broadcast_in_dim3A_135 = arith.constant 0.000000e+00 : f32
    %broadcast_in_dim3A_136 = vector.broadcast %broadcast_in_dim3A_135 : f32 to vector<16xf32>
    %swap3A_137 = arith.constant 0 : i32
    %swap3A_138 = arith.index_cast %swap3A_137 : i32 to index
    %swap3A_139 = arith.constant 208 : index
    %swap3A_140 = tpu.vector_load %arg8[%swap3A_138, %swap3A_139] {strides = array<i32>} : memref<1x256xf32, #tpu.memory_space<vmem>>, vector<1x16xf32>,
    %swap3A_141 = vector.shape_cast %swap3A_140 : vector<1x16xf32> to vector<16xf32>
    %swap3A_142 = vector.shape_cast %broadcast_in_dim3A_136 : vector<16xf32> to vector<1x16xf32>
    tpu.vector_store %arg8[%swap3A_138, %swap3A_139], %swap3A_142 {strides = array<i32>} : memref<1x256xf32, #tpu.memory_space<vmem>>, vector<1x16xf32>,
    %broadcast_in_dim3A_143 = arith.constant 0.000000e+00 : f32
    %broadcast_in_dim3A_144 = vector.broadcast %broadcast_in_dim3A_143 : f32 to vector<16xf32>
    %swap3A_145 = arith.constant 0 : i32
    %swap3A_146 = arith.index_cast %swap3A_145 : i32 to index
    %swap3A_147 = arith.constant 224 : index
    %swap3A_148 = tpu.vector_load %arg8[%swap3A_146, %swap3A_147] {strides = array<i32>} : memref<1x256xf32, #tpu.memory_space<vmem>>, vector<1x16xf32>,
    %swap3A_149 = vector.shape_cast %swap3A_148 : vector<1x16xf32> to vector<16xf32>
    %swap3A_150 = vector.shape_cast %broadcast_in_dim3A_144 : vector<16xf32> to vector<1x16xf32>
    tpu.vector_store %arg8[%swap3A_146, %swap3A_147], %swap3A_150 {strides = array<i32>} : memref<1x256xf32, #tpu.memory_space<vmem>>, vector<1x16xf32>,
    %broadcast_in_dim3A_151 = arith.constant 0.000000e+00 : f32
    %broadcast_in_dim3A_152 = vector.broadcast %broadcast_in_dim3A_151 : f32 to vector<16xf32>
    %swap3A_153 = arith.constant 0 : i32
    %swap3A_154 = arith.index_cast %swap3A_153 : i32 to index
    %swap3A_155 = arith.constant 240 : index
    %swap3A_156 = tpu.vector_load %arg8[%swap3A_154, %swap3A_155] {strides = array<i32>} : memref<1x256xf32, #tpu.memory_space<vmem>>, vector<1x16xf32>,
    %swap3A_157 = vector.shape_cast %swap3A_156 : vector<1x16xf32> to vector<16xf32>
    %swap3A_158 = vector.shape_cast %broadcast_in_dim3A_152 : vector<16xf32> to vector<1x16xf32>
    tpu.vector_store %arg8[%swap3A_154, %swap3A_155], %swap3A_158 {strides = array<i32>} : memref<1x256xf32, #tpu.memory_space<vmem>>, vector<1x16xf32>,
    %dma_start3A = arith.constant 0 : i32
    %dma_start3A_159 = tpu.memref_slice %arg2[%select_n3A, %dma_start3A, %mul3A_32] : memref<2x4096x4096xf32, #tpu.memory_space<hbm>> -> memref<1x64x256xf32, #tpu.memory_space<hbm>>
    %dma_start3A_160 = tpu.memref_squeeze %dma_start3A_159 : memref<1x64x256xf32, #tpu.memory_space<hbm>> -> memref<64x256xf32, #tpu.memory_space<hbm>>
    %dma_start3A_161 = arith.constant 0 : i32
    %dma_start3A_162 = tpu.memref_slice %arg2[%select_n3A, %dma_start3A_161, %mul3A_32] : memref<2x4096x4096xf32, #tpu.memory_space<hbm>> -> memref<1x64x256xf32, #tpu.memory_space<hbm>>
    %dma_start3A_163 = tpu.memref_squeeze %dma_start3A_162 : memref<1x64x256xf32, #tpu.memory_space<hbm>> -> memref<64x256xf32, #tpu.memory_space<hbm>>
    tpu.enqueue_dma source(%dma_start3A_163 : memref<64x256xf32, #tpu.memory_space<hbm>>) target(%arg4 : memref<64x256xf32, #tpu.memory_space<vmem>>) target_semaphore(%arg9 : memref<!tpu.dma_semaphore, #tpu.memory_space<semaphore_mem>>)
    %dma_start3A_164 = arith.constant 64 : i32
    %dma_start3A_165 = tpu.memref_slice %arg2[%select_n3A, %dma_start3A_164, %mul3A_32] : memref<2x4096x4096xf32, #tpu.memory_space<hbm>> -> memref<1x64x256xf32, #tpu.memory_space<hbm>>
    %dma_start3A_166 = tpu.memref_squeeze %dma_start3A_165 : memref<1x64x256xf32, #tpu.memory_space<hbm>> -> memref<64x256xf32, #tpu.memory_space<hbm>>
    %dma_start3A_167 = arith.constant 64 : i32
    %dma_start3A_168 = tpu.memref_slice %arg2[%select_n3A, %dma_start3A_167, %mul3A_32] : memref<2x4096x4096xf32, #tpu.memory_space<hbm>> -> memref<1x64x256xf32, #tpu.memory_space<hbm>>
    %dma_start3A_169 = tpu.memref_squeeze %dma_start3A_168 : memref<1x64x256xf32, #tpu.memory_space<hbm>> -> memref<64x256xf32, #tpu.memory_space<hbm>>
    tpu.enqueue_dma source(%dma_start3A_169 : memref<64x256xf32, #tpu.memory_space<hbm>>) target(%arg5 : memref<64x256xf32, #tpu.memory_space<vmem>>) target_semaphore(%arg10 : memref<!tpu.dma_semaphore, #tpu.memory_space<semaphore_mem>>)
    %scan3A = arith.constant 0 : i32
    %scan3A_170 = arith.constant 32 : i32
    %scan3A_171 = arith.addi %scan3A, %scan3A_170 : i32
    %scan3A_172 = arith.constant 1 : i32
    scf.for %scan3A_185 = %scan3A to %scan3A_171 step %scan3A_172  : i32 {
      %mul3A_186 = arith.constant 2 : i32
      %mul3A_187 = arith.muli %scan3A_185, %mul3A_186 : i32
      %add3A_188 = arith.constant 0 : i32
      %add3A_189 = arith.addi %add3A_188, %mul3A_187 : i32
      %add3A_190 = arith.constant 0 : i32
      %add3A_191 = arith.addi %add3A_189, %add3A_190 : i32
      %mul3A_192 = arith.constant 64 : i32
      %mul3A_193 = arith.muli %add3A_191, %mul3A_192 : i32
      %dma_wait3A_194 = tpu.memref_slice %arg2[%select_n3A, %mul3A_193, %mul3A_32] : memref<2x4096x4096xf32, #tpu.memory_space<hbm>> -> memref<1x64x256xf32, #tpu.memory_space<hbm>>
      %dma_wait3A_195 = tpu.memref_squeeze %dma_wait3A_194 : memref<1x64x256xf32, #tpu.memory_space<hbm>> -> memref<64x256xf32, #tpu.memory_space<hbm>>
      %dma_wait3A_196 = tpu.memref_slice %arg2[%select_n3A, %mul3A_193, %mul3A_32] : memref<2x4096x4096xf32, #tpu.memory_space<hbm>> -> memref<1x64x256xf32, #tpu.memory_space<hbm>>
      %dma_wait3A_197 = tpu.memref_squeeze %dma_wait3A_196 : memref<1x64x256xf32, #tpu.memory_space<hbm>> -> memref<64x256xf32, #tpu.memory_space<hbm>>
      tpu.wait_dma2 semaphore(%arg9 : memref<!tpu.dma_semaphore, #tpu.memory_space<semaphore_mem>>) src(%dma_wait3A_197 : memref<64x256xf32, #tpu.memory_space<hbm>>) dst(%arg4 : memref<64x256xf32, #tpu.memory_space<vmem>>)
      %ge3A = arith.constant 2 : i32
      %ge3A_198 = arith.cmpi sge, %add3A_191, %ge3A : i32
      %convert_element_type3A = arith.extui %ge3A_198 : i1 to i32
      %cond3A = arith.constant 0 : i32
      %cond3A_199 = arith.cmpi ne, %convert_element_type3A, %cond3A : i32
      scf.if %cond3A_199 {
        %sub3A_602 = arith.constant 2 : i32
        %sub3A_603 = arith.subi %add3A_191, %sub3A_602 : i32
        %mul3A_604 = arith.constant 64 : i32
        %mul3A_605 = arith.muli %sub3A_603, %mul3A_604 : i32
        %dma_wait3A_606 = tpu.memref_slice %arg3[%select_n3A, %mul3A_605, %mul3A_32] : memref<2x4096x4096xf32, #tpu.memory_space<hbm>> -> memref<1x64x256xf32, #tpu.memory_space<hbm>>
        %dma_wait3A_607 = tpu.memref_squeeze %dma_wait3A_606 : memref<1x64x256xf32, #tpu.memory_space<hbm>> -> memref<64x256xf32, #tpu.memory_space<hbm>>
        %dma_wait3A_608 = tpu.memref_slice %arg3[%select_n3A, %mul3A_605, %mul3A_32] : memref<2x4096x4096xf32, #tpu.memory_space<hbm>> -> memref<1x64x256xf32, #tpu.memory_space<hbm>>
        %dma_wait3A_609 = tpu.memref_squeeze %dma_wait3A_608 : memref<1x64x256xf32, #tpu.memory_space<hbm>> -> memref<64x256xf32, #tpu.memory_space<hbm>>
        tpu.wait_dma2 semaphore(%arg11 : memref<!tpu.dma_semaphore, #tpu.memory_space<semaphore_mem>>) src(%arg6 : memref<64x256xf32, #tpu.memory_space<vmem>>) dst(%dma_wait3A_609 : memref<64x256xf32, #tpu.memory_space<hbm>>)
      } else {
      }
      %get3A = arith.constant 0 : i32
      %get3A_200 = arith.index_cast %get3A : i32 to index
      %get3A_201 = arith.constant 0 : index
      %get3A_202 = tpu.vector_load %arg8[%get3A_200, %get3A_201] {strides = array<i32>} : memref<1x256xf32, #tpu.memory_space<vmem>>, vector<1x16xf32>,
      %get3A_203 = vector.shape_cast %get3A_202 : vector<1x16xf32> to vector<16xf32>
      %get3A_204 = arith.constant 0 : i32
      %get3A_205 = arith.index_cast %get3A_204 : i32 to index
      %get3A_206 = arith.constant 16 : index
      %get3A_207 = tpu.vector_load %arg8[%get3A_205, %get3A_206] {strides = array<i32>} : memref<1x256xf32, #tpu.memory_space<vmem>>, vector<1x16xf32>,
      %get3A_208 = vector.shape_cast %get3A_207 : vector<1x16xf32> to vector<16xf32>
      %get3A_209 = arith.constant 0 : i32
      %get3A_210 = arith.index_cast %get3A_209 : i32 to index
      %get3A_211 = arith.constant 32 : index
      %get3A_212 = tpu.vector_load %arg8[%get3A_210, %get3A_211] {strides = array<i32>} : memref<1x256xf32, #tpu.memory_space<vmem>>, vector<1x16xf32>,
      %get3A_213 = vector.shape_cast %get3A_212 : vector<1x16xf32> to vector<16xf32>
      %get3A_214 = arith.constant 0 : i32
      %get3A_215 = arith.index_cast %get3A_214 : i32 to index
      %get3A_216 = arith.constant 48 : index
      %get3A_217 = tpu.vector_load %arg8[%get3A_215, %get3A_216] {strides = array<i32>} : memref<1x256xf32, #tpu.memory_space<vmem>>, vector<1x16xf32>,
      %get3A_218 = vector.shape_cast %get3A_217 : vector<1x16xf32> to vector<16xf32>
      %get3A_219 = arith.constant 0 : i32
      %get3A_220 = arith.index_cast %get3A_219 : i32 to index
      %get3A_221 = arith.constant 64 : index
      %get3A_222 = tpu.vector_load %arg8[%get3A_220, %get3A_221] {strides = array<i32>} : memref<1x256xf32, #tpu.memory_space<vmem>>, vector<1x16xf32>,
      %get3A_223 = vector.shape_cast %get3A_222 : vector<1x16xf32> to vector<16xf32>
      %get3A_224 = arith.constant 0 : i32
      %get3A_225 = arith.index_cast %get3A_224 : i32 to index
      %get3A_226 = arith.constant 80 : index
      %get3A_227 = tpu.vector_load %arg8[%get3A_225, %get3A_226] {strides = array<i32>} : memref<1x256xf32, #tpu.memory_space<vmem>>, vector<1x16xf32>,
      %get3A_228 = vector.shape_cast %get3A_227 : vector<1x16xf32> to vector<16xf32>
      %get3A_229 = arith.constant 0 : i32
      %get3A_230 = arith.index_cast %get3A_229 : i32 to index
      %get3A_231 = arith.constant 96 : index
      %get3A_232 = tpu.vector_load %arg8[%get3A_230, %get3A_231] {strides = array<i32>} : memref<1x256xf32, #tpu.memory_space<vmem>>, vector<1x16xf32>,
      %get3A_233 = vector.shape_cast %get3A_232 : vector<1x16xf32> to vector<16xf32>
      %get3A_234 = arith.constant 0 : i32
      %get3A_235 = arith.index_cast %get3A_234 : i32 to index
      %get3A_236 = arith.constant 112 : index
      %get3A_237 = tpu.vector_load %arg8[%get3A_235, %get3A_236] {strides = array<i32>} : memref<1x256xf32, #tpu.memory_space<vmem>>, vector<1x16xf32>,
      %get3A_238 = vector.shape_cast %get3A_237 : vector<1x16xf32> to vector<16xf32>
      %get3A_239 = arith.constant 0 : i32
      %get3A_240 = arith.index_cast %get3A_239 : i32 to index
      %get3A_241 = arith.constant 128 : index
      %get3A_242 = tpu.vector_load %arg8[%get3A_240, %get3A_241] {strides = array<i32>} : memref<1x256xf32, #tpu.memory_space<vmem>>, vector<1x16xf32>,
      %get3A_243 = vector.shape_cast %get3A_242 : vector<1x16xf32> to vector<16xf32>
      %get3A_244 = arith.constant 0 : i32
      %get3A_245 = arith.index_cast %get3A_244 : i32 to index
      %get3A_246 = arith.constant 144 : index
      %get3A_247 = tpu.vector_load %arg8[%get3A_245, %get3A_246] {strides = array<i32>} : memref<1x256xf32, #tpu.memory_space<vmem>>, vector<1x16xf32>,
      %get3A_248 = vector.shape_cast %get3A_247 : vector<1x16xf32> to vector<16xf32>
      %get3A_249 = arith.constant 0 : i32
      %get3A_250 = arith.index_cast %get3A_249 : i32 to index
      %get3A_251 = arith.constant 160 : index
      %get3A_252 = tpu.vector_load %arg8[%get3A_250, %get3A_251] {strides = array<i32>} : memref<1x256xf32, #tpu.memory_space<vmem>>, vector<1x16xf32>,
      %get3A_253 = vector.shape_cast %get3A_252 : vector<1x16xf32> to vector<16xf32>
      %get3A_254 = arith.constant 0 : i32
      %get3A_255 = arith.index_cast %get3A_254 : i32 to index
      %get3A_256 = arith.constant 176 : index
      %get3A_257 = tpu.vector_load %arg8[%get3A_255, %get3A_256] {strides = array<i32>} : memref<1x256xf32, #tpu.memory_space<vmem>>, vector<1x16xf32>,
      %get3A_258 = vector.shape_cast %get3A_257 : vector<1x16xf32> to vector<16xf32>
      %get3A_259 = arith.constant 0 : i32
      %get3A_260 = arith.index_cast %get3A_259 : i32 to index
      %get3A_261 = arith.constant 192 : index
      %get3A_262 = tpu.vector_load %arg8[%get3A_260, %get3A_261] {strides = array<i32>} : memref<1x256xf32, #tpu.memory_space<vmem>>, vector<1x16xf32>,
      %get3A_263 = vector.shape_cast %get3A_262 : vector<1x16xf32> to vector<16xf32>
      %get3A_264 = arith.constant 0 : i32
      %get3A_265 = arith.index_cast %get3A_264 : i32 to index
      %get3A_266 = arith.constant 208 : index
      %get3A_267 = tpu.vector_load %arg8[%get3A_265, %get3A_266] {strides = array<i32>} : memref<1x256xf32, #tpu.memory_space<vmem>>, vector<1x16xf32>,
      %get3A_268 = vector.shape_cast %get3A_267 : vector<1x16xf32> to vector<16xf32>
      %get3A_269 = arith.constant 0 : i32
      %get3A_270 = arith.index_cast %get3A_269 : i32 to index
      %get3A_271 = arith.constant 224 : index
      %get3A_272 = tpu.vector_load %arg8[%get3A_270, %get3A_271] {strides = array<i32>} : memref<1x256xf32, #tpu.memory_space<vmem>>, vector<1x16xf32>,
      %get3A_273 = vector.shape_cast %get3A_272 : vector<1x16xf32> to vector<16xf32>
      %get3A_274 = arith.constant 0 : i32
      %get3A_275 = arith.index_cast %get3A_274 : i32 to index
      %get3A_276 = arith.constant 240 : index
      %get3A_277 = tpu.vector_load %arg8[%get3A_275, %get3A_276] {strides = array<i32>} : memref<1x256xf32, #tpu.memory_space<vmem>>, vector<1x16xf32>,
      %get3A_278 = vector.shape_cast %get3A_277 : vector<1x16xf32> to vector<16xf32>
      %scan3A_279 = arith.constant 0 : i32
      %scan3A_280 = arith.constant 64 : i32
      %scan3A_281 = arith.addi %scan3A_279, %scan3A_280 : i32
      %scan3A_282 = arith.constant 1 : i32
      %scan3A_283:16 = scf.for %scan3A_602 = %scan3A_279 to %scan3A_281 step %scan3A_282 iter_args(%scan3A_603 = %get3A_203, %scan3A_604 = %get3A_208, %scan3A_605 = %get3A_213, %scan3A_606 = %get3A_218, %scan3A_607 = %get3A_223, %scan3A_608 = %get3A_228, %scan3A_609 = %get3A_233, %scan3A_610 = %get3A_238, %scan3A_611 = %get3A_243, %scan3A_612 = %get3A_248, %scan3A_613 = %get3A_253, %scan3A_614 = %get3A_258, %scan3A_615 = %get3A_263, %scan3A_616 = %get3A_268, %scan3A_617 = %get3A_273, %scan3A_618 = %get3A_278) -> (vector<16xf32>, vector<16xf32>, vector<16xf32>, vector<16xf32>, vector<16xf32>, vector<16xf32>, vector<16xf32>, vector<16xf32>, vector<16xf32>, vector<16xf32>, vector<16xf32>, vector<16xf32>, vector<16xf32>, vector<16xf32>, vector<16xf32>, vector<16xf32>)  : i32 {
        %get3A_619 = arith.index_cast %scan3A_602 : i32 to index
        %get3A_620 = arith.constant 0 : index
        %get3A_621 = tpu.vector_load %arg4[%get3A_619, %get3A_620] {strides = array<i32>} : memref<64x256xf32, #tpu.memory_space<vmem>>, vector<1x16xf32>,
        %get3A_622 = vector.shape_cast %get3A_621 : vector<1x16xf32> to vector<16xf32>
        %add3A_623 = arith.addf %scan3A_603, %get3A_622 : vector<16xf32>
        %swap3A_624 = arith.index_cast %scan3A_602 : i32 to index
        %swap3A_625 = arith.constant 0 : index
        %swap3A_626 = tpu.vector_load %arg6[%swap3A_624, %swap3A_625] {strides = array<i32>} : memref<64x256xf32, #tpu.memory_space<vmem>>, vector<1x16xf32>,
        %swap3A_627 = vector.shape_cast %swap3A_626 : vector<1x16xf32> to vector<16xf32>
        %swap3A_628 = vector.shape_cast %add3A_623 : vector<16xf32> to vector<1x16xf32>
        tpu.vector_store %arg6[%swap3A_624, %swap3A_625], %swap3A_628 {strides = array<i32>} : memref<64x256xf32, #tpu.memory_space<vmem>>, vector<1x16xf32>,
        %get3A_629 = arith.index_cast %scan3A_602 : i32 to index
        %get3A_630 = arith.constant 16 : index
        %get3A_631 = tpu.vector_load %arg4[%get3A_629, %get3A_630] {strides = array<i32>} : memref<64x256xf32, #tpu.memory_space<vmem>>, vector<1x16xf32>,
        %get3A_632 = vector.shape_cast %get3A_631 : vector<1x16xf32> to vector<16xf32>
        %add3A_633 = arith.addf %scan3A_604, %get3A_632 : vector<16xf32>
        %swap3A_634 = arith.index_cast %scan3A_602 : i32 to index
        %swap3A_635 = arith.constant 16 : index
        %swap3A_636 = tpu.vector_load %arg6[%swap3A_634, %swap3A_635] {strides = array<i32>} : memref<64x256xf32, #tpu.memory_space<vmem>>, vector<1x16xf32>,
        %swap3A_637 = vector.shape_cast %swap3A_636 : vector<1x16xf32> to vector<16xf32>
        %swap3A_638 = vector.shape_cast %add3A_633 : vector<16xf32> to vector<1x16xf32>
        tpu.vector_store %arg6[%swap3A_634, %swap3A_635], %swap3A_638 {strides = array<i32>} : memref<64x256xf32, #tpu.memory_space<vmem>>, vector<1x16xf32>,
        %get3A_639 = arith.index_cast %scan3A_602 : i32 to index
        %get3A_640 = arith.constant 32 : index
        %get3A_641 = tpu.vector_load %arg4[%get3A_639, %get3A_640] {strides = array<i32>} : memref<64x256xf32, #tpu.memory_space<vmem>>, vector<1x16xf32>,
        %get3A_642 = vector.shape_cast %get3A_641 : vector<1x16xf32> to vector<16xf32>
        %add3A_643 = arith.addf %scan3A_605, %get3A_642 : vector<16xf32>
        %swap3A_644 = arith.index_cast %scan3A_602 : i32 to index
        %swap3A_645 = arith.constant 32 : index
        %swap3A_646 = tpu.vector_load %arg6[%swap3A_644, %swap3A_645] {strides = array<i32>} : memref<64x256xf32, #tpu.memory_space<vmem>>, vector<1x16xf32>,
        %swap3A_647 = vector.shape_cast %swap3A_646 : vector<1x16xf32> to vector<16xf32>
        %swap3A_648 = vector.shape_cast %add3A_643 : vector<16xf32> to vector<1x16xf32>
        tpu.vector_store %arg6[%swap3A_644, %swap3A_645], %swap3A_648 {strides = array<i32>} : memref<64x256xf32, #tpu.memory_space<vmem>>, vector<1x16xf32>,
        %get3A_649 = arith.index_cast %scan3A_602 : i32 to index
        %get3A_650 = arith.constant 48 : index
        %get3A_651 = tpu.vector_load %arg4[%get3A_649, %get3A_650] {strides = array<i32>} : memref<64x256xf32, #tpu.memory_space<vmem>>, vector<1x16xf32>,
        %get3A_652 = vector.shape_cast %get3A_651 : vector<1x16xf32> to vector<16xf32>
        %add3A_653 = arith.addf %scan3A_606, %get3A_652 : vector<16xf32>
        %swap3A_654 = arith.index_cast %scan3A_602 : i32 to index
        %swap3A_655 = arith.constant 48 : index
        %swap3A_656 = tpu.vector_load %arg6[%swap3A_654, %swap3A_655] {strides = array<i32>} : memref<64x256xf32, #tpu.memory_space<vmem>>, vector<1x16xf32>,
        %swap3A_657 = vector.shape_cast %swap3A_656 : vector<1x16xf32> to vector<16xf32>
        %swap3A_658 = vector.shape_cast %add3A_653 : vector<16xf32> to vector<1x16xf32>
        tpu.vector_store %arg6[%swap3A_654, %swap3A_655], %swap3A_658 {strides = array<i32>} : memref<64x256xf32, #tpu.memory_space<vmem>>, vector<1x16xf32>,
        %get3A_659 = arith.index_cast %scan3A_602 : i32 to index
        %get3A_660 = arith.constant 64 : index
        %get3A_661 = tpu.vector_load %arg4[%get3A_659, %get3A_660] {strides = array<i32>} : memref<64x256xf32, #tpu.memory_space<vmem>>, vector<1x16xf32>,
        %get3A_662 = vector.shape_cast %get3A_661 : vector<1x16xf32> to vector<16xf32>
        %add3A_663 = arith.addf %scan3A_607, %get3A_662 : vector<16xf32>
        %swap3A_664 = arith.index_cast %scan3A_602 : i32 to index
        %swap3A_665 = arith.constant 64 : index
        %swap3A_666 = tpu.vector_load %arg6[%swap3A_664, %swap3A_665] {strides = array<i32>} : memref<64x256xf32, #tpu.memory_space<vmem>>, vector<1x16xf32>,
        %swap3A_667 = vector.shape_cast %swap3A_666 : vector<1x16xf32> to vector<16xf32>
        %swap3A_668 = vector.shape_cast %add3A_663 : vector<16xf32> to vector<1x16xf32>
        tpu.vector_store %arg6[%swap3A_664, %swap3A_665], %swap3A_668 {strides = array<i32>} : memref<64x256xf32, #tpu.memory_space<vmem>>, vector<1x16xf32>,
        %get3A_669 = arith.index_cast %scan3A_602 : i32 to index
        %get3A_670 = arith.constant 80 : index
        %get3A_671 = tpu.vector_load %arg4[%get3A_669, %get3A_670] {strides = array<i32>} : memref<64x256xf32, #tpu.memory_space<vmem>>, vector<1x16xf32>,
        %get3A_672 = vector.shape_cast %get3A_671 : vector<1x16xf32> to vector<16xf32>
        %add3A_673 = arith.addf %scan3A_608, %get3A_672 : vector<16xf32>
        %swap3A_674 = arith.index_cast %scan3A_602 : i32 to index
        %swap3A_675 = arith.constant 80 : index
        %swap3A_676 = tpu.vector_load %arg6[%swap3A_674, %swap3A_675] {strides = array<i32>} : memref<64x256xf32, #tpu.memory_space<vmem>>, vector<1x16xf32>,
        %swap3A_677 = vector.shape_cast %swap3A_676 : vector<1x16xf32> to vector<16xf32>
        %swap3A_678 = vector.shape_cast %add3A_673 : vector<16xf32> to vector<1x16xf32>
        tpu.vector_store %arg6[%swap3A_674, %swap3A_675], %swap3A_678 {strides = array<i32>} : memref<64x256xf32, #tpu.memory_space<vmem>>, vector<1x16xf32>,
        %get3A_679 = arith.index_cast %scan3A_602 : i32 to index
        %get3A_680 = arith.constant 96 : index
        %get3A_681 = tpu.vector_load %arg4[%get3A_679, %get3A_680] {strides = array<i32>} : memref<64x256xf32, #tpu.memory_space<vmem>>, vector<1x16xf32>,
        %get3A_682 = vector.shape_cast %get3A_681 : vector<1x16xf32> to vector<16xf32>
        %add3A_683 = arith.addf %scan3A_609, %get3A_682 : vector<16xf32>
        %swap3A_684 = arith.index_cast %scan3A_602 : i32 to index
        %swap3A_685 = arith.constant 96 : index
        %swap3A_686 = tpu.vector_load %arg6[%swap3A_684, %swap3A_685] {strides = array<i32>} : memref<64x256xf32, #tpu.memory_space<vmem>>, vector<1x16xf32>,
        %swap3A_687 = vector.shape_cast %swap3A_686 : vector<1x16xf32> to vector<16xf32>
        %swap3A_688 = vector.shape_cast %add3A_683 : vector<16xf32> to vector<1x16xf32>
        tpu.vector_store %arg6[%swap3A_684, %swap3A_685], %swap3A_688 {strides = array<i32>} : memref<64x256xf32, #tpu.memory_space<vmem>>, vector<1x16xf32>,
        %get3A_689 = arith.index_cast %scan3A_602 : i32 to index
        %get3A_690 = arith.constant 112 : index
        %get3A_691 = tpu.vector_load %arg4[%get3A_689, %get3A_690] {strides = array<i32>} : memref<64x256xf32, #tpu.memory_space<vmem>>, vector<1x16xf32>,
        %get3A_692 = vector.shape_cast %get3A_691 : vector<1x16xf32> to vector<16xf32>
        %add3A_693 = arith.addf %scan3A_610, %get3A_692 : vector<16xf32>
        %swap3A_694 = arith.index_cast %scan3A_602 : i32 to index
        %swap3A_695 = arith.constant 112 : index
        %swap3A_696 = tpu.vector_load %arg6[%swap3A_694, %swap3A_695] {strides = array<i32>} : memref<64x256xf32, #tpu.memory_space<vmem>>, vector<1x16xf32>,
        %swap3A_697 = vector.shape_cast %swap3A_696 : vector<1x16xf32> to vector<16xf32>
        %swap3A_698 = vector.shape_cast %add3A_693 : vector<16xf32> to vector<1x16xf32>
        tpu.vector_store %arg6[%swap3A_694, %swap3A_695], %swap3A_698 {strides = array<i32>} : memref<64x256xf32, #tpu.memory_space<vmem>>, vector<1x16xf32>,
        %get3A_699 = arith.index_cast %scan3A_602 : i32 to index
        %get3A_700 = arith.constant 128 : index
        %get3A_701 = tpu.vector_load %arg4[%get3A_699, %get3A_700] {strides = array<i32>} : memref<64x256xf32, #tpu.memory_space<vmem>>, vector<1x16xf32>,
        %get3A_702 = vector.shape_cast %get3A_701 : vector<1x16xf32> to vector<16xf32>
        %add3A_703 = arith.addf %scan3A_611, %get3A_702 : vector<16xf32>
        %swap3A_704 = arith.index_cast %scan3A_602 : i32 to index
        %swap3A_705 = arith.constant 128 : index
        %swap3A_706 = tpu.vector_load %arg6[%swap3A_704, %swap3A_705] {strides = array<i32>} : memref<64x256xf32, #tpu.memory_space<vmem>>, vector<1x16xf32>,
        %swap3A_707 = vector.shape_cast %swap3A_706 : vector<1x16xf32> to vector<16xf32>
        %swap3A_708 = vector.shape_cast %add3A_703 : vector<16xf32> to vector<1x16xf32>
        tpu.vector_store %arg6[%swap3A_704, %swap3A_705], %swap3A_708 {strides = array<i32>} : memref<64x256xf32, #tpu.memory_space<vmem>>, vector<1x16xf32>,
        %get3A_709 = arith.index_cast %scan3A_602 : i32 to index
        %get3A_710 = arith.constant 144 : index
        %get3A_711 = tpu.vector_load %arg4[%get3A_709, %get3A_710] {strides = array<i32>} : memref<64x256xf32, #tpu.memory_space<vmem>>, vector<1x16xf32>,
        %get3A_712 = vector.shape_cast %get3A_711 : vector<1x16xf32> to vector<16xf32>
        %add3A_713 = arith.addf %scan3A_612, %get3A_712 : vector<16xf32>
        %swap3A_714 = arith.index_cast %scan3A_602 : i32 to index
        %swap3A_715 = arith.constant 144 : index
        %swap3A_716 = tpu.vector_load %arg6[%swap3A_714, %swap3A_715] {strides = array<i32>} : memref<64x256xf32, #tpu.memory_space<vmem>>, vector<1x16xf32>,
        %swap3A_717 = vector.shape_cast %swap3A_716 : vector<1x16xf32> to vector<16xf32>
        %swap3A_718 = vector.shape_cast %add3A_713 : vector<16xf32> to vector<1x16xf32>
        tpu.vector_store %arg6[%swap3A_714, %swap3A_715], %swap3A_718 {strides = array<i32>} : memref<64x256xf32, #tpu.memory_space<vmem>>, vector<1x16xf32>,
        %get3A_719 = arith.index_cast %scan3A_602 : i32 to index
        %get3A_720 = arith.constant 160 : index
        %get3A_721 = tpu.vector_load %arg4[%get3A_719, %get3A_720] {strides = array<i32>} : memref<64x256xf32, #tpu.memory_space<vmem>>, vector<1x16xf32>,
        %get3A_722 = vector.shape_cast %get3A_721 : vector<1x16xf32> to vector<16xf32>
        %add3A_723 = arith.addf %scan3A_613, %get3A_722 : vector<16xf32>
        %swap3A_724 = arith.index_cast %scan3A_602 : i32 to index
        %swap3A_725 = arith.constant 160 : index
        %swap3A_726 = tpu.vector_load %arg6[%swap3A_724, %swap3A_725] {strides = array<i32>} : memref<64x256xf32, #tpu.memory_space<vmem>>, vector<1x16xf32>,
        %swap3A_727 = vector.shape_cast %swap3A_726 : vector<1x16xf32> to vector<16xf32>
        %swap3A_728 = vector.shape_cast %add3A_723 : vector<16xf32> to vector<1x16xf32>
        tpu.vector_store %arg6[%swap3A_724, %swap3A_725], %swap3A_728 {strides = array<i32>} : memref<64x256xf32, #tpu.memory_space<vmem>>, vector<1x16xf32>,
        %get3A_729 = arith.index_cast %scan3A_602 : i32 to index
        %get3A_730 = arith.constant 176 : index
        %get3A_731 = tpu.vector_load %arg4[%get3A_729, %get3A_730] {strides = array<i32>} : memref<64x256xf32, #tpu.memory_space<vmem>>, vector<1x16xf32>,
        %get3A_732 = vector.shape_cast %get3A_731 : vector<1x16xf32> to vector<16xf32>
        %add3A_733 = arith.addf %scan3A_614, %get3A_732 : vector<16xf32>
        %swap3A_734 = arith.index_cast %scan3A_602 : i32 to index
        %swap3A_735 = arith.constant 176 : index
        %swap3A_736 = tpu.vector_load %arg6[%swap3A_734, %swap3A_735] {strides = array<i32>} : memref<64x256xf32, #tpu.memory_space<vmem>>, vector<1x16xf32>,
        %swap3A_737 = vector.shape_cast %swap3A_736 : vector<1x16xf32> to vector<16xf32>
        %swap3A_738 = vector.shape_cast %add3A_733 : vector<16xf32> to vector<1x16xf32>
        tpu.vector_store %arg6[%swap3A_734, %swap3A_735], %swap3A_738 {strides = array<i32>} : memref<64x256xf32, #tpu.memory_space<vmem>>, vector<1x16xf32>,
        %get3A_739 = arith.index_cast %scan3A_602 : i32 to index
        %get3A_740 = arith.constant 192 : index
        %get3A_741 = tpu.vector_load %arg4[%get3A_739, %get3A_740] {strides = array<i32>} : memref<64x256xf32, #tpu.memory_space<vmem>>, vector<1x16xf32>,
        %get3A_742 = vector.shape_cast %get3A_741 : vector<1x16xf32> to vector<16xf32>
        %add3A_743 = arith.addf %scan3A_615, %get3A_742 : vector<16xf32>
        %swap3A_744 = arith.index_cast %scan3A_602 : i32 to index
        %swap3A_745 = arith.constant 192 : index
        %swap3A_746 = tpu.vector_load %arg6[%swap3A_744, %swap3A_745] {strides = array<i32>} : memref<64x256xf32, #tpu.memory_space<vmem>>, vector<1x16xf32>,
        %swap3A_747 = vector.shape_cast %swap3A_746 : vector<1x16xf32> to vector<16xf32>
        %swap3A_748 = vector.shape_cast %add3A_743 : vector<16xf32> to vector<1x16xf32>
        tpu.vector_store %arg6[%swap3A_744, %swap3A_745], %swap3A_748 {strides = array<i32>} : memref<64x256xf32, #tpu.memory_space<vmem>>, vector<1x16xf32>,
        %get3A_749 = arith.index_cast %scan3A_602 : i32 to index
        %get3A_750 = arith.constant 208 : index
        %get3A_751 = tpu.vector_load %arg4[%get3A_749, %get3A_750] {strides = array<i32>} : memref<64x256xf32, #tpu.memory_space<vmem>>, vector<1x16xf32>,
        %get3A_752 = vector.shape_cast %get3A_751 : vector<1x16xf32> to vector<16xf32>
        %add3A_753 = arith.addf %scan3A_616, %get3A_752 : vector<16xf32>
        %swap3A_754 = arith.index_cast %scan3A_602 : i32 to index
        %swap3A_755 = arith.constant 208 : index
        %swap3A_756 = tpu.vector_load %arg6[%swap3A_754, %swap3A_755] {strides = array<i32>} : memref<64x256xf32, #tpu.memory_space<vmem>>, vector<1x16xf32>,
        %swap3A_757 = vector.shape_cast %swap3A_756 : vector<1x16xf32> to vector<16xf32>
        %swap3A_758 = vector.shape_cast %add3A_753 : vector<16xf32> to vector<1x16xf32>
        tpu.vector_store %arg6[%swap3A_754, %swap3A_755], %swap3A_758 {strides = array<i32>} : memref<64x256xf32, #tpu.memory_space<vmem>>, vector<1x16xf32>,
        %get3A_759 = arith.index_cast %scan3A_602 : i32 to index
        %get3A_760 = arith.constant 224 : index
        %get3A_761 = tpu.vector_load %arg4[%get3A_759, %get3A_760] {strides = array<i32>} : memref<64x256xf32, #tpu.memory_space<vmem>>, vector<1x16xf32>,
        %get3A_762 = vector.shape_cast %get3A_761 : vector<1x16xf32> to vector<16xf32>
        %add3A_763 = arith.addf %scan3A_617, %get3A_762 : vector<16xf32>
        %swap3A_764 = arith.index_cast %scan3A_602 : i32 to index
        %swap3A_765 = arith.constant 224 : index
        %swap3A_766 = tpu.vector_load %arg6[%swap3A_764, %swap3A_765] {strides = array<i32>} : memref<64x256xf32, #tpu.memory_space<vmem>>, vector<1x16xf32>,
        %swap3A_767 = vector.shape_cast %swap3A_766 : vector<1x16xf32> to vector<16xf32>
        %swap3A_768 = vector.shape_cast %add3A_763 : vector<16xf32> to vector<1x16xf32>
        tpu.vector_store %arg6[%swap3A_764, %swap3A_765], %swap3A_768 {strides = array<i32>} : memref<64x256xf32, #tpu.memory_space<vmem>>, vector<1x16xf32>,
        %get3A_769 = arith.index_cast %scan3A_602 : i32 to index
        %get3A_770 = arith.constant 240 : index
        %get3A_771 = tpu.vector_load %arg4[%get3A_769, %get3A_770] {strides = array<i32>} : memref<64x256xf32, #tpu.memory_space<vmem>>, vector<1x16xf32>,
        %get3A_772 = vector.shape_cast %get3A_771 : vector<1x16xf32> to vector<16xf32>
        %add3A_773 = arith.addf %scan3A_618, %get3A_772 : vector<16xf32>
        %swap3A_774 = arith.index_cast %scan3A_602 : i32 to index
        %swap3A_775 = arith.constant 240 : index
        %swap3A_776 = tpu.vector_load %arg6[%swap3A_774, %swap3A_775] {strides = array<i32>} : memref<64x256xf32, #tpu.memory_space<vmem>>, vector<1x16xf32>,
        %swap3A_777 = vector.shape_cast %swap3A_776 : vector<1x16xf32> to vector<16xf32>
        %swap3A_778 = vector.shape_cast %add3A_773 : vector<16xf32> to vector<1x16xf32>
        tpu.vector_store %arg6[%swap3A_774, %swap3A_775], %swap3A_778 {strides = array<i32>} : memref<64x256xf32, #tpu.memory_space<vmem>>, vector<1x16xf32>,
        scf.yield %add3A_623, %add3A_633, %add3A_643, %add3A_653, %add3A_663, %add3A_673, %add3A_683, %add3A_693, %add3A_703, %add3A_713, %add3A_723, %add3A_733, %add3A_743, %add3A_753, %add3A_763, %add3A_773 : vector<16xf32>, vector<16xf32>, vector<16xf32>, vector<16xf32>, vector<16xf32>, vector<16xf32>, vector<16xf32>, vector<16xf32>, vector<16xf32>, vector<16xf32>, vector<16xf32>, vector<16xf32>, vector<16xf32>, vector<16xf32>, vector<16xf32>, vector<16xf32>
      }
      %scan3A_284 = arith.constant 64 : i32
      %swap3A_285 = arith.constant 0 : i32
      %swap3A_286 = arith.index_cast %swap3A_285 : i32 to index
      %swap3A_287 = arith.constant 0 : index
      %swap3A_288 = tpu.vector_load %arg8[%swap3A_286, %swap3A_287] {strides = array<i32>} : memref<1x256xf32, #tpu.memory_space<vmem>>, vector<1x16xf32>,
      %swap3A_289 = vector.shape_cast %swap3A_288 : vector<1x16xf32> to vector<16xf32>
      %swap3A_290 = vector.shape_cast %scan3A_283#0 : vector<16xf32> to vector<1x16xf32>
      tpu.vector_store %arg8[%swap3A_286, %swap3A_287], %swap3A_290 {strides = array<i32>} : memref<1x256xf32, #tpu.memory_space<vmem>>, vector<1x16xf32>,
      %swap3A_291 = arith.constant 0 : i32
      %swap3A_292 = arith.index_cast %swap3A_291 : i32 to index
      %swap3A_293 = arith.constant 16 : index
      %swap3A_294 = tpu.vector_load %arg8[%swap3A_292, %swap3A_293] {strides = array<i32>} : memref<1x256xf32, #tpu.memory_space<vmem>>, vector<1x16xf32>,
      %swap3A_295 = vector.shape_cast %swap3A_294 : vector<1x16xf32> to vector<16xf32>
      %swap3A_296 = vector.shape_cast %scan3A_283#1 : vector<16xf32> to vector<1x16xf32>
      tpu.vector_store %arg8[%swap3A_292, %swap3A_293], %swap3A_296 {strides = array<i32>} : memref<1x256xf32, #tpu.memory_space<vmem>>, vector<1x16xf32>,
      %swap3A_297 = arith.constant 0 : i32
      %swap3A_298 = arith.index_cast %swap3A_297 : i32 to index
      %swap3A_299 = arith.constant 32 : index
      %swap3A_300 = tpu.vector_load %arg8[%swap3A_298, %swap3A_299] {strides = array<i32>} : memref<1x256xf32, #tpu.memory_space<vmem>>, vector<1x16xf32>,
      %swap3A_301 = vector.shape_cast %swap3A_300 : vector<1x16xf32> to vector<16xf32>
      %swap3A_302 = vector.shape_cast %scan3A_283#2 : vector<16xf32> to vector<1x16xf32>
      tpu.vector_store %arg8[%swap3A_298, %swap3A_299], %swap3A_302 {strides = array<i32>} : memref<1x256xf32, #tpu.memory_space<vmem>>, vector<1x16xf32>,
      %swap3A_303 = arith.constant 0 : i32
      %swap3A_304 = arith.index_cast %swap3A_303 : i32 to index
      %swap3A_305 = arith.constant 48 : index
      %swap3A_306 = tpu.vector_load %arg8[%swap3A_304, %swap3A_305] {strides = array<i32>} : memref<1x256xf32, #tpu.memory_space<vmem>>, vector<1x16xf32>,
      %swap3A_307 = vector.shape_cast %swap3A_306 : vector<1x16xf32> to vector<16xf32>
      %swap3A_308 = vector.shape_cast %scan3A_283#3 : vector<16xf32> to vector<1x16xf32>
      tpu.vector_store %arg8[%swap3A_304, %swap3A_305], %swap3A_308 {strides = array<i32>} : memref<1x256xf32, #tpu.memory_space<vmem>>, vector<1x16xf32>,
      %swap3A_309 = arith.constant 0 : i32
      %swap3A_310 = arith.index_cast %swap3A_309 : i32 to index
      %swap3A_311 = arith.constant 64 : index
      %swap3A_312 = tpu.vector_load %arg8[%swap3A_310, %swap3A_311] {strides = array<i32>} : memref<1x256xf32, #tpu.memory_space<vmem>>, vector<1x16xf32>,
      %swap3A_313 = vector.shape_cast %swap3A_312 : vector<1x16xf32> to vector<16xf32>
      %swap3A_314 = vector.shape_cast %scan3A_283#4 : vector<16xf32> to vector<1x16xf32>
      tpu.vector_store %arg8[%swap3A_310, %swap3A_311], %swap3A_314 {strides = array<i32>} : memref<1x256xf32, #tpu.memory_space<vmem>>, vector<1x16xf32>,
      %swap3A_315 = arith.constant 0 : i32
      %swap3A_316 = arith.index_cast %swap3A_315 : i32 to index
      %swap3A_317 = arith.constant 80 : index
      %swap3A_318 = tpu.vector_load %arg8[%swap3A_316, %swap3A_317] {strides = array<i32>} : memref<1x256xf32, #tpu.memory_space<vmem>>, vector<1x16xf32>,
      %swap3A_319 = vector.shape_cast %swap3A_318 : vector<1x16xf32> to vector<16xf32>
      %swap3A_320 = vector.shape_cast %scan3A_283#5 : vector<16xf32> to vector<1x16xf32>
      tpu.vector_store %arg8[%swap3A_316, %swap3A_317], %swap3A_320 {strides = array<i32>} : memref<1x256xf32, #tpu.memory_space<vmem>>, vector<1x16xf32>,
      %swap3A_321 = arith.constant 0 : i32
      %swap3A_322 = arith.index_cast %swap3A_321 : i32 to index
      %swap3A_323 = arith.constant 96 : index
      %swap3A_324 = tpu.vector_load %arg8[%swap3A_322, %swap3A_323] {strides = array<i32>} : memref<1x256xf32, #tpu.memory_space<vmem>>, vector<1x16xf32>,
      %swap3A_325 = vector.shape_cast %swap3A_324 : vector<1x16xf32> to vector<16xf32>
      %swap3A_326 = vector.shape_cast %scan3A_283#6 : vector<16xf32> to vector<1x16xf32>
      tpu.vector_store %arg8[%swap3A_322, %swap3A_323], %swap3A_326 {strides = array<i32>} : memref<1x256xf32, #tpu.memory_space<vmem>>, vector<1x16xf32>,
      %swap3A_327 = arith.constant 0 : i32
      %swap3A_328 = arith.index_cast %swap3A_327 : i32 to index
      %swap3A_329 = arith.constant 112 : index
      %swap3A_330 = tpu.vector_load %arg8[%swap3A_328, %swap3A_329] {strides = array<i32>} : memref<1x256xf32, #tpu.memory_space<vmem>>, vector<1x16xf32>,
      %swap3A_331 = vector.shape_cast %swap3A_330 : vector<1x16xf32> to vector<16xf32>
      %swap3A_332 = vector.shape_cast %scan3A_283#7 : vector<16xf32> to vector<1x16xf32>
      tpu.vector_store %arg8[%swap3A_328, %swap3A_329], %swap3A_332 {strides = array<i32>} : memref<1x256xf32, #tpu.memory_space<vmem>>, vector<1x16xf32>,
      %swap3A_333 = arith.constant 0 : i32
      %swap3A_334 = arith.index_cast %swap3A_333 : i32 to index
      %swap3A_335 = arith.constant 128 : index
      %swap3A_336 = tpu.vector_load %arg8[%swap3A_334, %swap3A_335] {strides = array<i32>} : memref<1x256xf32, #tpu.memory_space<vmem>>, vector<1x16xf32>,
      %swap3A_337 = vector.shape_cast %swap3A_336 : vector<1x16xf32> to vector<16xf32>
      %swap3A_338 = vector.shape_cast %scan3A_283#8 : vector<16xf32> to vector<1x16xf32>
      tpu.vector_store %arg8[%swap3A_334, %swap3A_335], %swap3A_338 {strides = array<i32>} : memref<1x256xf32, #tpu.memory_space<vmem>>, vector<1x16xf32>,
      %swap3A_339 = arith.constant 0 : i32
      %swap3A_340 = arith.index_cast %swap3A_339 : i32 to index
      %swap3A_341 = arith.constant 144 : index
      %swap3A_342 = tpu.vector_load %arg8[%swap3A_340, %swap3A_341] {strides = array<i32>} : memref<1x256xf32, #tpu.memory_space<vmem>>, vector<1x16xf32>,
      %swap3A_343 = vector.shape_cast %swap3A_342 : vector<1x16xf32> to vector<16xf32>
      %swap3A_344 = vector.shape_cast %scan3A_283#9 : vector<16xf32> to vector<1x16xf32>
      tpu.vector_store %arg8[%swap3A_340, %swap3A_341], %swap3A_344 {strides = array<i32>} : memref<1x256xf32, #tpu.memory_space<vmem>>, vector<1x16xf32>,
      %swap3A_345 = arith.constant 0 : i32
      %swap3A_346 = arith.index_cast %swap3A_345 : i32 to index
      %swap3A_347 = arith.constant 160 : index
      %swap3A_348 = tpu.vector_load %arg8[%swap3A_346, %swap3A_347] {strides = array<i32>} : memref<1x256xf32, #tpu.memory_space<vmem>>, vector<1x16xf32>,
      %swap3A_349 = vector.shape_cast %swap3A_348 : vector<1x16xf32> to vector<16xf32>
      %swap3A_350 = vector.shape_cast %scan3A_283#10 : vector<16xf32> to vector<1x16xf32>
      tpu.vector_store %arg8[%swap3A_346, %swap3A_347], %swap3A_350 {strides = array<i32>} : memref<1x256xf32, #tpu.memory_space<vmem>>, vector<1x16xf32>,
      %swap3A_351 = arith.constant 0 : i32
      %swap3A_352 = arith.index_cast %swap3A_351 : i32 to index
      %swap3A_353 = arith.constant 176 : index
      %swap3A_354 = tpu.vector_load %arg8[%swap3A_352, %swap3A_353] {strides = array<i32>} : memref<1x256xf32, #tpu.memory_space<vmem>>, vector<1x16xf32>,
      %swap3A_355 = vector.shape_cast %swap3A_354 : vector<1x16xf32> to vector<16xf32>
      %swap3A_356 = vector.shape_cast %scan3A_283#11 : vector<16xf32> to vector<1x16xf32>
      tpu.vector_store %arg8[%swap3A_352, %swap3A_353], %swap3A_356 {strides = array<i32>} : memref<1x256xf32, #tpu.memory_space<vmem>>, vector<1x16xf32>,
      %swap3A_357 = arith.constant 0 : i32
      %swap3A_358 = arith.index_cast %swap3A_357 : i32 to index
      %swap3A_359 = arith.constant 192 : index
      %swap3A_360 = tpu.vector_load %arg8[%swap3A_358, %swap3A_359] {strides = array<i32>} : memref<1x256xf32, #tpu.memory_space<vmem>>, vector<1x16xf32>,
      %swap3A_361 = vector.shape_cast %swap3A_360 : vector<1x16xf32> to vector<16xf32>
      %swap3A_362 = vector.shape_cast %scan3A_283#12 : vector<16xf32> to vector<1x16xf32>
      tpu.vector_store %arg8[%swap3A_358, %swap3A_359], %swap3A_362 {strides = array<i32>} : memref<1x256xf32, #tpu.memory_space<vmem>>, vector<1x16xf32>,
      %swap3A_363 = arith.constant 0 : i32
      %swap3A_364 = arith.index_cast %swap3A_363 : i32 to index
      %swap3A_365 = arith.constant 208 : index
      %swap3A_366 = tpu.vector_load %arg8[%swap3A_364, %swap3A_365] {strides = array<i32>} : memref<1x256xf32, #tpu.memory_space<vmem>>, vector<1x16xf32>,
      %swap3A_367 = vector.shape_cast %swap3A_366 : vector<1x16xf32> to vector<16xf32>
      %swap3A_368 = vector.shape_cast %scan3A_283#13 : vector<16xf32> to vector<1x16xf32>
      tpu.vector_store %arg8[%swap3A_364, %swap3A_365], %swap3A_368 {strides = array<i32>} : memref<1x256xf32, #tpu.memory_space<vmem>>, vector<1x16xf32>,
      %swap3A_369 = arith.constant 0 : i32
      %swap3A_370 = arith.index_cast %swap3A_369 : i32 to index
      %swap3A_371 = arith.constant 224 : index
      %swap3A_372 = tpu.vector_load %arg8[%swap3A_370, %swap3A_371] {strides = array<i32>} : memref<1x256xf32, #tpu.memory_space<vmem>>, vector<1x16xf32>,
      %swap3A_373 = vector.shape_cast %swap3A_372 : vector<1x16xf32> to vector<16xf32>
      %swap3A_374 = vector.shape_cast %scan3A_283#14 : vector<16xf32> to vector<1x16xf32>
      tpu.vector_store %arg8[%swap3A_370, %swap3A_371], %swap3A_374 {strides = array<i32>} : memref<1x256xf32, #tpu.memory_space<vmem>>, vector<1x16xf32>,
      %swap3A_375 = arith.constant 0 : i32
      %swap3A_376 = arith.index_cast %swap3A_375 : i32 to index
      %swap3A_377 = arith.constant 240 : index
      %swap3A_378 = tpu.vector_load %arg8[%swap3A_376, %swap3A_377] {strides = array<i32>} : memref<1x256xf32, #tpu.memory_space<vmem>>, vector<1x16xf32>,
      %swap3A_379 = vector.shape_cast %swap3A_378 : vector<1x16xf32> to vector<16xf32>
      %swap3A_380 = vector.shape_cast %scan3A_283#15 : vector<16xf32> to vector<1x16xf32>
      tpu.vector_store %arg8[%swap3A_376, %swap3A_377], %swap3A_380 {strides = array<i32>} : memref<1x256xf32, #tpu.memory_space<vmem>>, vector<1x16xf32>,
      %mul3A_381 = arith.constant 64 : i32
      %mul3A_382 = arith.muli %add3A_191, %mul3A_381 : i32
      %dma_start3A_383 = tpu.memref_slice %arg3[%select_n3A, %mul3A_382, %mul3A_32] : memref<2x4096x4096xf32, #tpu.memory_space<hbm>> -> memref<1x64x256xf32, #tpu.memory_space<hbm>>
      %dma_start3A_384 = tpu.memref_squeeze %dma_start3A_383 : memref<1x64x256xf32, #tpu.memory_space<hbm>> -> memref<64x256xf32, #tpu.memory_space<hbm>>
      %dma_start3A_385 = tpu.memref_slice %arg3[%select_n3A, %mul3A_382, %mul3A_32] : memref<2x4096x4096xf32, #tpu.memory_space<hbm>> -> memref<1x64x256xf32, #tpu.memory_space<hbm>>
      %dma_start3A_386 = tpu.memref_squeeze %dma_start3A_385 : memref<1x64x256xf32, #tpu.memory_space<hbm>> -> memref<64x256xf32, #tpu.memory_space<hbm>>
      tpu.enqueue_dma source(%arg6 : memref<64x256xf32, #tpu.memory_space<vmem>>) target(%dma_start3A_386 : memref<64x256xf32, #tpu.memory_space<hbm>>) target_semaphore(%arg11 : memref<!tpu.dma_semaphore, #tpu.memory_space<semaphore_mem>>)
      %add3A_387 = arith.constant 2 : i32
      %add3A_388 = arith.addi %add3A_191, %add3A_387 : i32
      %lt3A_389 = arith.constant 64 : i32
      %lt3A_390 = arith.cmpi slt, %add3A_388, %lt3A_389 : i32
      %convert_element_type3A_391 = arith.extui %lt3A_390 : i1 to i32
      %cond3A_392 = arith.constant 0 : i32
      %cond3A_393 = arith.cmpi ne, %convert_element_type3A_391, %cond3A_392 : i32
      scf.if %cond3A_393 {
        %add3A_602 = arith.constant 2 : i32
        %add3A_603 = arith.addi %add3A_191, %add3A_602 : i32
        %mul3A_604 = arith.constant 64 : i32
        %mul3A_605 = arith.muli %add3A_603, %mul3A_604 : i32
        %dma_start3A_606 = tpu.memref_slice %arg2[%select_n3A, %mul3A_605, %mul3A_32] : memref<2x4096x4096xf32, #tpu.memory_space<hbm>> -> memref<1x64x256xf32, #tpu.memory_space<hbm>>
        %dma_start3A_607 = tpu.memref_squeeze %dma_start3A_606 : memref<1x64x256xf32, #tpu.memory_space<hbm>> -> memref<64x256xf32, #tpu.memory_space<hbm>>
        %dma_start3A_608 = tpu.memref_slice %arg2[%select_n3A, %mul3A_605, %mul3A_32] : memref<2x4096x4096xf32, #tpu.memory_space<hbm>> -> memref<1x64x256xf32, #tpu.memory_space<hbm>>
        %dma_start3A_609 = tpu.memref_squeeze %dma_start3A_608 : memref<1x64x256xf32, #tpu.memory_space<hbm>> -> memref<64x256xf32, #tpu.memory_space<hbm>>
        tpu.enqueue_dma source(%dma_start3A_609 : memref<64x256xf32, #tpu.memory_space<hbm>>) target(%arg4 : memref<64x256xf32, #tpu.memory_space<vmem>>) target_semaphore(%arg9 : memref<!tpu.dma_semaphore, #tpu.memory_space<semaphore_mem>>)
      } else {
      }
      %add3A_394 = arith.constant 1 : i32
      %add3A_395 = arith.addi %add3A_189, %add3A_394 : i32
      %mul3A_396 = arith.constant 64 : i32
      %mul3A_397 = arith.muli %add3A_395, %mul3A_396 : i32
      %dma_wait3A_398 = tpu.memref_slice %arg2[%select_n3A, %mul3A_397, %mul3A_32] : memref<2x4096x4096xf32, #tpu.memory_space<hbm>> -> memref<1x64x256xf32, #tpu.memory_space<hbm>>
      %dma_wait3A_399 = tpu.memref_squeeze %dma_wait3A_398 : memref<1x64x256xf32, #tpu.memory_space<hbm>> -> memref<64x256xf32, #tpu.memory_space<hbm>>
      %dma_wait3A_400 = tpu.memref_slice %arg2[%select_n3A, %mul3A_397, %mul3A_32] : memref<2x4096x4096xf32, #tpu.memory_space<hbm>> -> memref<1x64x256xf32, #tpu.memory_space<hbm>>
      %dma_wait3A_401 = tpu.memref_squeeze %dma_wait3A_400 : memref<1x64x256xf32, #tpu.memory_space<hbm>> -> memref<64x256xf32, #tpu.memory_space<hbm>>
      tpu.wait_dma2 semaphore(%arg10 : memref<!tpu.dma_semaphore, #tpu.memory_space<semaphore_mem>>) src(%dma_wait3A_401 : memref<64x256xf32, #tpu.memory_space<hbm>>) dst(%arg5 : memref<64x256xf32, #tpu.memory_space<vmem>>)
      %ge3A_402 = arith.constant 2 : i32
      %ge3A_403 = arith.cmpi sge, %add3A_395, %ge3A_402 : i32
      %convert_element_type3A_404 = arith.extui %ge3A_403 : i1 to i32
      %cond3A_405 = arith.constant 0 : i32
      %cond3A_406 = arith.cmpi ne, %convert_element_type3A_404, %cond3A_405 : i32
      scf.if %cond3A_406 {
        %sub3A_602 = arith.constant 2 : i32
        %sub3A_603 = arith.subi %add3A_395, %sub3A_602 : i32
        %mul3A_604 = arith.constant 64 : i32
        %mul3A_605 = arith.muli %sub3A_603, %mul3A_604 : i32
        %dma_wait3A_606 = tpu.memref_slice %arg3[%select_n3A, %mul3A_605, %mul3A_32] : memref<2x4096x4096xf32, #tpu.memory_space<hbm>> -> memref<1x64x256xf32, #tpu.memory_space<hbm>>
        %dma_wait3A_607 = tpu.memref_squeeze %dma_wait3A_606 : memref<1x64x256xf32, #tpu.memory_space<hbm>> -> memref<64x256xf32, #tpu.memory_space<hbm>>
        %dma_wait3A_608 = tpu.memref_slice %arg3[%select_n3A, %mul3A_605, %mul3A_32] : memref<2x4096x4096xf32, #tpu.memory_space<hbm>> -> memref<1x64x256xf32, #tpu.memory_space<hbm>>
        %dma_wait3A_609 = tpu.memref_squeeze %dma_wait3A_608 : memref<1x64x256xf32, #tpu.memory_space<hbm>> -> memref<64x256xf32, #tpu.memory_space<hbm>>
        tpu.wait_dma2 semaphore(%arg12 : memref<!tpu.dma_semaphore, #tpu.memory_space<semaphore_mem>>) src(%arg7 : memref<64x256xf32, #tpu.memory_space<vmem>>) dst(%dma_wait3A_609 : memref<64x256xf32, #tpu.memory_space<hbm>>)
      } else {
      }
      %get3A_407 = arith.constant 0 : i32
      %get3A_408 = arith.index_cast %get3A_407 : i32 to index
      %get3A_409 = arith.constant 0 : index
      %get3A_410 = tpu.vector_load %arg8[%get3A_408, %get3A_409] {strides = array<i32>} : memref<1x256xf32, #tpu.memory_space<vmem>>, vector<1x16xf32>,
      %get3A_411 = vector.shape_cast %get3A_410 : vector<1x16xf32> to vector<16xf32>
      %get3A_412 = arith.constant 0 : i32
      %get3A_413 = arith.index_cast %get3A_412 : i32 to index
      %get3A_414 = arith.constant 16 : index
      %get3A_415 = tpu.vector_load %arg8[%get3A_413, %get3A_414] {strides = array<i32>} : memref<1x256xf32, #tpu.memory_space<vmem>>, vector<1x16xf32>,
      %get3A_416 = vector.shape_cast %get3A_415 : vector<1x16xf32> to vector<16xf32>
      %get3A_417 = arith.constant 0 : i32
      %get3A_418 = arith.index_cast %get3A_417 : i32 to index
      %get3A_419 = arith.constant 32 : index
      %get3A_420 = tpu.vector_load %arg8[%get3A_418, %get3A_419] {strides = array<i32>} : memref<1x256xf32, #tpu.memory_space<vmem>>, vector<1x16xf32>,
      %get3A_421 = vector.shape_cast %get3A_420 : vector<1x16xf32> to vector<16xf32>
      %get3A_422 = arith.constant 0 : i32
      %get3A_423 = arith.index_cast %get3A_422 : i32 to index
      %get3A_424 = arith.constant 48 : index
      %get3A_425 = tpu.vector_load %arg8[%get3A_423, %get3A_424] {strides = array<i32>} : memref<1x256xf32, #tpu.memory_space<vmem>>, vector<1x16xf32>,
      %get3A_426 = vector.shape_cast %get3A_425 : vector<1x16xf32> to vector<16xf32>
      %get3A_427 = arith.constant 0 : i32
      %get3A_428 = arith.index_cast %get3A_427 : i32 to index
      %get3A_429 = arith.constant 64 : index
      %get3A_430 = tpu.vector_load %arg8[%get3A_428, %get3A_429] {strides = array<i32>} : memref<1x256xf32, #tpu.memory_space<vmem>>, vector<1x16xf32>,
      %get3A_431 = vector.shape_cast %get3A_430 : vector<1x16xf32> to vector<16xf32>
      %get3A_432 = arith.constant 0 : i32
      %get3A_433 = arith.index_cast %get3A_432 : i32 to index
      %get3A_434 = arith.constant 80 : index
      %get3A_435 = tpu.vector_load %arg8[%get3A_433, %get3A_434] {strides = array<i32>} : memref<1x256xf32, #tpu.memory_space<vmem>>, vector<1x16xf32>,
      %get3A_436 = vector.shape_cast %get3A_435 : vector<1x16xf32> to vector<16xf32>
      %get3A_437 = arith.constant 0 : i32
      %get3A_438 = arith.index_cast %get3A_437 : i32 to index
      %get3A_439 = arith.constant 96 : index
      %get3A_440 = tpu.vector_load %arg8[%get3A_438, %get3A_439] {strides = array<i32>} : memref<1x256xf32, #tpu.memory_space<vmem>>, vector<1x16xf32>,
      %get3A_441 = vector.shape_cast %get3A_440 : vector<1x16xf32> to vector<16xf32>
      %get3A_442 = arith.constant 0 : i32
      %get3A_443 = arith.index_cast %get3A_442 : i32 to index
      %get3A_444 = arith.constant 112 : index
      %get3A_445 = tpu.vector_load %arg8[%get3A_443, %get3A_444] {strides = array<i32>} : memref<1x256xf32, #tpu.memory_space<vmem>>, vector<1x16xf32>,
      %get3A_446 = vector.shape_cast %get3A_445 : vector<1x16xf32> to vector<16xf32>
      %get3A_447 = arith.constant 0 : i32
      %get3A_448 = arith.index_cast %get3A_447 : i32 to index
      %get3A_449 = arith.constant 128 : index
      %get3A_450 = tpu.vector_load %arg8[%get3A_448, %get3A_449] {strides = array<i32>} : memref<1x256xf32, #tpu.memory_space<vmem>>, vector<1x16xf32>,
      %get3A_451 = vector.shape_cast %get3A_450 : vector<1x16xf32> to vector<16xf32>
      %get3A_452 = arith.constant 0 : i32
      %get3A_453 = arith.index_cast %get3A_452 : i32 to index
      %get3A_454 = arith.constant 144 : index
      %get3A_455 = tpu.vector_load %arg8[%get3A_453, %get3A_454] {strides = array<i32>} : memref<1x256xf32, #tpu.memory_space<vmem>>, vector<1x16xf32>,
      %get3A_456 = vector.shape_cast %get3A_455 : vector<1x16xf32> to vector<16xf32>
      %get3A_457 = arith.constant 0 : i32
      %get3A_458 = arith.index_cast %get3A_457 : i32 to index
      %get3A_459 = arith.constant 160 : index
      %get3A_460 = tpu.vector_load %arg8[%get3A_458, %get3A_459] {strides = array<i32>} : memref<1x256xf32, #tpu.memory_space<vmem>>, vector<1x16xf32>,
      %get3A_461 = vector.shape_cast %get3A_460 : vector<1x16xf32> to vector<16xf32>
      %get3A_462 = arith.constant 0 : i32
      %get3A_463 = arith.index_cast %get3A_462 : i32 to index
      %get3A_464 = arith.constant 176 : index
      %get3A_465 = tpu.vector_load %arg8[%get3A_463, %get3A_464] {strides = array<i32>} : memref<1x256xf32, #tpu.memory_space<vmem>>, vector<1x16xf32>,
      %get3A_466 = vector.shape_cast %get3A_465 : vector<1x16xf32> to vector<16xf32>
      %get3A_467 = arith.constant 0 : i32
      %get3A_468 = arith.index_cast %get3A_467 : i32 to index
      %get3A_469 = arith.constant 192 : index
      %get3A_470 = tpu.vector_load %arg8[%get3A_468, %get3A_469] {strides = array<i32>} : memref<1x256xf32, #tpu.memory_space<vmem>>, vector<1x16xf32>,
      %get3A_471 = vector.shape_cast %get3A_470 : vector<1x16xf32> to vector<16xf32>
      %get3A_472 = arith.constant 0 : i32
      %get3A_473 = arith.index_cast %get3A_472 : i32 to index
      %get3A_474 = arith.constant 208 : index
      %get3A_475 = tpu.vector_load %arg8[%get3A_473, %get3A_474] {strides = array<i32>} : memref<1x256xf32, #tpu.memory_space<vmem>>, vector<1x16xf32>,
      %get3A_476 = vector.shape_cast %get3A_475 : vector<1x16xf32> to vector<16xf32>
      %get3A_477 = arith.constant 0 : i32
      %get3A_478 = arith.index_cast %get3A_477 : i32 to index
      %get3A_479 = arith.constant 224 : index
      %get3A_480 = tpu.vector_load %arg8[%get3A_478, %get3A_479] {strides = array<i32>} : memref<1x256xf32, #tpu.memory_space<vmem>>, vector<1x16xf32>,
      %get3A_481 = vector.shape_cast %get3A_480 : vector<1x16xf32> to vector<16xf32>
      %get3A_482 = arith.constant 0 : i32
      %get3A_483 = arith.index_cast %get3A_482 : i32 to index
      %get3A_484 = arith.constant 240 : index
      %get3A_485 = tpu.vector_load %arg8[%get3A_483, %get3A_484] {strides = array<i32>} : memref<1x256xf32, #tpu.memory_space<vmem>>, vector<1x16xf32>,
      %get3A_486 = vector.shape_cast %get3A_485 : vector<1x16xf32> to vector<16xf32>
      %scan3A_487 = arith.constant 0 : i32
      %scan3A_488 = arith.constant 64 : i32
      %scan3A_489 = arith.addi %scan3A_487, %scan3A_488 : i32
      %scan3A_490 = arith.constant 1 : i32
      %scan3A_491:16 = scf.for %scan3A_602 = %scan3A_487 to %scan3A_489 step %scan3A_490 iter_args(%scan3A_603 = %get3A_411, %scan3A_604 = %get3A_416, %scan3A_605 = %get3A_421, %scan3A_606 = %get3A_426, %scan3A_607 = %get3A_431, %scan3A_608 = %get3A_436, %scan3A_609 = %get3A_441, %scan3A_610 = %get3A_446, %scan3A_611 = %get3A_451, %scan3A_612 = %get3A_456, %scan3A_613 = %get3A_461, %scan3A_614 = %get3A_466, %scan3A_615 = %get3A_471, %scan3A_616 = %get3A_476, %scan3A_617 = %get3A_481, %scan3A_618 = %get3A_486) -> (vector<16xf32>, vector<16xf32>, vector<16xf32>, vector<16xf32>, vector<16xf32>, vector<16xf32>, vector<16xf32>, vector<16xf32>, vector<16xf32>, vector<16xf32>, vector<16xf32>, vector<16xf32>, vector<16xf32>, vector<16xf32>, vector<16xf32>, vector<16xf32>)  : i32 {
        %get3A_619 = arith.index_cast %scan3A_602 : i32 to index
        %get3A_620 = arith.constant 0 : index
        %get3A_621 = tpu.vector_load %arg5[%get3A_619, %get3A_620] {strides = array<i32>} : memref<64x256xf32, #tpu.memory_space<vmem>>, vector<1x16xf32>,
        %get3A_622 = vector.shape_cast %get3A_621 : vector<1x16xf32> to vector<16xf32>
        %add3A_623 = arith.addf %scan3A_603, %get3A_622 : vector<16xf32>
        %swap3A_624 = arith.index_cast %scan3A_602 : i32 to index
        %swap3A_625 = arith.constant 0 : index
        %swap3A_626 = tpu.vector_load %arg7[%swap3A_624, %swap3A_625] {strides = array<i32>} : memref<64x256xf32, #tpu.memory_space<vmem>>, vector<1x16xf32>,
        %swap3A_627 = vector.shape_cast %swap3A_626 : vector<1x16xf32> to vector<16xf32>
        %swap3A_628 = vector.shape_cast %add3A_623 : vector<16xf32> to vector<1x16xf32>
        tpu.vector_store %arg7[%swap3A_624, %swap3A_625], %swap3A_628 {strides = array<i32>} : memref<64x256xf32, #tpu.memory_space<vmem>>, vector<1x16xf32>,
        %get3A_629 = arith.index_cast %scan3A_602 : i32 to index
        %get3A_630 = arith.constant 16 : index
        %get3A_631 = tpu.vector_load %arg5[%get3A_629, %get3A_630] {strides = array<i32>} : memref<64x256xf32, #tpu.memory_space<vmem>>, vector<1x16xf32>,
        %get3A_632 = vector.shape_cast %get3A_631 : vector<1x16xf32> to vector<16xf32>
        %add3A_633 = arith.addf %scan3A_604, %get3A_632 : vector<16xf32>
        %swap3A_634 = arith.index_cast %scan3A_602 : i32 to index
        %swap3A_635 = arith.constant 16 : index
        %swap3A_636 = tpu.vector_load %arg7[%swap3A_634, %swap3A_635] {strides = array<i32>} : memref<64x256xf32, #tpu.memory_space<vmem>>, vector<1x16xf32>,
        %swap3A_637 = vector.shape_cast %swap3A_636 : vector<1x16xf32> to vector<16xf32>
        %swap3A_638 = vector.shape_cast %add3A_633 : vector<16xf32> to vector<1x16xf32>
        tpu.vector_store %arg7[%swap3A_634, %swap3A_635], %swap3A_638 {strides = array<i32>} : memref<64x256xf32, #tpu.memory_space<vmem>>, vector<1x16xf32>,
        %get3A_639 = arith.index_cast %scan3A_602 : i32 to index
        %get3A_640 = arith.constant 32 : index
        %get3A_641 = tpu.vector_load %arg5[%get3A_639, %get3A_640] {strides = array<i32>} : memref<64x256xf32, #tpu.memory_space<vmem>>, vector<1x16xf32>,
        %get3A_642 = vector.shape_cast %get3A_641 : vector<1x16xf32> to vector<16xf32>
        %add3A_643 = arith.addf %scan3A_605, %get3A_642 : vector<16xf32>
        %swap3A_644 = arith.index_cast %scan3A_602 : i32 to index
        %swap3A_645 = arith.constant 32 : index
        %swap3A_646 = tpu.vector_load %arg7[%swap3A_644, %swap3A_645] {strides = array<i32>} : memref<64x256xf32, #tpu.memory_space<vmem>>, vector<1x16xf32>,
        %swap3A_647 = vector.shape_cast %swap3A_646 : vector<1x16xf32> to vector<16xf32>
        %swap3A_648 = vector.shape_cast %add3A_643 : vector<16xf32> to vector<1x16xf32>
        tpu.vector_store %arg7[%swap3A_644, %swap3A_645], %swap3A_648 {strides = array<i32>} : memref<64x256xf32, #tpu.memory_space<vmem>>, vector<1x16xf32>,
        %get3A_649 = arith.index_cast %scan3A_602 : i32 to index
        %get3A_650 = arith.constant 48 : index
        %get3A_651 = tpu.vector_load %arg5[%get3A_649, %get3A_650] {strides = array<i32>} : memref<64x256xf32, #tpu.memory_space<vmem>>, vector<1x16xf32>,
        %get3A_652 = vector.shape_cast %get3A_651 : vector<1x16xf32> to vector<16xf32>
        %add3A_653 = arith.addf %scan3A_606, %get3A_652 : vector<16xf32>
        %swap3A_654 = arith.index_cast %scan3A_602 : i32 to index
        %swap3A_655 = arith.constant 48 : index
        %swap3A_656 = tpu.vector_load %arg7[%swap3A_654, %swap3A_655] {strides = array<i32>} : memref<64x256xf32, #tpu.memory_space<vmem>>, vector<1x16xf32>,
        %swap3A_657 = vector.shape_cast %swap3A_656 : vector<1x16xf32> to vector<16xf32>
        %swap3A_658 = vector.shape_cast %add3A_653 : vector<16xf32> to vector<1x16xf32>
        tpu.vector_store %arg7[%swap3A_654, %swap3A_655], %swap3A_658 {strides = array<i32>} : memref<64x256xf32, #tpu.memory_space<vmem>>, vector<1x16xf32>,
        %get3A_659 = arith.index_cast %scan3A_602 : i32 to index
        %get3A_660 = arith.constant 64 : index
        %get3A_661 = tpu.vector_load %arg5[%get3A_659, %get3A_660] {strides = array<i32>} : memref<64x256xf32, #tpu.memory_space<vmem>>, vector<1x16xf32>,
        %get3A_662 = vector.shape_cast %get3A_661 : vector<1x16xf32> to vector<16xf32>
        %add3A_663 = arith.addf %scan3A_607, %get3A_662 : vector<16xf32>
        %swap3A_664 = arith.index_cast %scan3A_602 : i32 to index
        %swap3A_665 = arith.constant 64 : index
        %swap3A_666 = tpu.vector_load %arg7[%swap3A_664, %swap3A_665] {strides = array<i32>} : memref<64x256xf32, #tpu.memory_space<vmem>>, vector<1x16xf32>,
        %swap3A_667 = vector.shape_cast %swap3A_666 : vector<1x16xf32> to vector<16xf32>
        %swap3A_668 = vector.shape_cast %add3A_663 : vector<16xf32> to vector<1x16xf32>
        tpu.vector_store %arg7[%swap3A_664, %swap3A_665], %swap3A_668 {strides = array<i32>} : memref<64x256xf32, #tpu.memory_space<vmem>>, vector<1x16xf32>,
        %get3A_669 = arith.index_cast %scan3A_602 : i32 to index
        %get3A_670 = arith.constant 80 : index
        %get3A_671 = tpu.vector_load %arg5[%get3A_669, %get3A_670] {strides = array<i32>} : memref<64x256xf32, #tpu.memory_space<vmem>>, vector<1x16xf32>,
        %get3A_672 = vector.shape_cast %get3A_671 : vector<1x16xf32> to vector<16xf32>
        %add3A_673 = arith.addf %scan3A_608, %get3A_672 : vector<16xf32>
        %swap3A_674 = arith.index_cast %scan3A_602 : i32 to index
        %swap3A_675 = arith.constant 80 : index
        %swap3A_676 = tpu.vector_load %arg7[%swap3A_674, %swap3A_675] {strides = array<i32>} : memref<64x256xf32, #tpu.memory_space<vmem>>, vector<1x16xf32>,
        %swap3A_677 = vector.shape_cast %swap3A_676 : vector<1x16xf32> to vector<16xf32>
        %swap3A_678 = vector.shape_cast %add3A_673 : vector<16xf32> to vector<1x16xf32>
        tpu.vector_store %arg7[%swap3A_674, %swap3A_675], %swap3A_678 {strides = array<i32>} : memref<64x256xf32, #tpu.memory_space<vmem>>, vector<1x16xf32>,
        %get3A_679 = arith.index_cast %scan3A_602 : i32 to index
        %get3A_680 = arith.constant 96 : index
        %get3A_681 = tpu.vector_load %arg5[%get3A_679, %get3A_680] {strides = array<i32>} : memref<64x256xf32, #tpu.memory_space<vmem>>, vector<1x16xf32>,
        %get3A_682 = vector.shape_cast %get3A_681 : vector<1x16xf32> to vector<16xf32>
        %add3A_683 = arith.addf %scan3A_609, %get3A_682 : vector<16xf32>
        %swap3A_684 = arith.index_cast %scan3A_602 : i32 to index
        %swap3A_685 = arith.constant 96 : index
        %swap3A_686 = tpu.vector_load %arg7[%swap3A_684, %swap3A_685] {strides = array<i32>} : memref<64x256xf32, #tpu.memory_space<vmem>>, vector<1x16xf32>,
        %swap3A_687 = vector.shape_cast %swap3A_686 : vector<1x16xf32> to vector<16xf32>
        %swap3A_688 = vector.shape_cast %add3A_683 : vector<16xf32> to vector<1x16xf32>
        tpu.vector_store %arg7[%swap3A_684, %swap3A_685], %swap3A_688 {strides = array<i32>} : memref<64x256xf32, #tpu.memory_space<vmem>>, vector<1x16xf32>,
        %get3A_689 = arith.index_cast %scan3A_602 : i32 to index
        %get3A_690 = arith.constant 112 : index
        %get3A_691 = tpu.vector_load %arg5[%get3A_689, %get3A_690] {strides = array<i32>} : memref<64x256xf32, #tpu.memory_space<vmem>>, vector<1x16xf32>,
        %get3A_692 = vector.shape_cast %get3A_691 : vector<1x16xf32> to vector<16xf32>
        %add3A_693 = arith.addf %scan3A_610, %get3A_692 : vector<16xf32>
        %swap3A_694 = arith.index_cast %scan3A_602 : i32 to index
        %swap3A_695 = arith.constant 112 : index
        %swap3A_696 = tpu.vector_load %arg7[%swap3A_694, %swap3A_695] {strides = array<i32>} : memref<64x256xf32, #tpu.memory_space<vmem>>, vector<1x16xf32>,
        %swap3A_697 = vector.shape_cast %swap3A_696 : vector<1x16xf32> to vector<16xf32>
        %swap3A_698 = vector.shape_cast %add3A_693 : vector<16xf32> to vector<1x16xf32>
        tpu.vector_store %arg7[%swap3A_694, %swap3A_695], %swap3A_698 {strides = array<i32>} : memref<64x256xf32, #tpu.memory_space<vmem>>, vector<1x16xf32>,
        %get3A_699 = arith.index_cast %scan3A_602 : i32 to index
        %get3A_700 = arith.constant 128 : index
        %get3A_701 = tpu.vector_load %arg5[%get3A_699, %get3A_700] {strides = array<i32>} : memref<64x256xf32, #tpu.memory_space<vmem>>, vector<1x16xf32>,
        %get3A_702 = vector.shape_cast %get3A_701 : vector<1x16xf32> to vector<16xf32>
        %add3A_703 = arith.addf %scan3A_611, %get3A_702 : vector<16xf32>
        %swap3A_704 = arith.index_cast %scan3A_602 : i32 to index
        %swap3A_705 = arith.constant 128 : index
        %swap3A_706 = tpu.vector_load %arg7[%swap3A_704, %swap3A_705] {strides = array<i32>} : memref<64x256xf32, #tpu.memory_space<vmem>>, vector<1x16xf32>,
        %swap3A_707 = vector.shape_cast %swap3A_706 : vector<1x16xf32> to vector<16xf32>
        %swap3A_708 = vector.shape_cast %add3A_703 : vector<16xf32> to vector<1x16xf32>
        tpu.vector_store %arg7[%swap3A_704, %swap3A_705], %swap3A_708 {strides = array<i32>} : memref<64x256xf32, #tpu.memory_space<vmem>>, vector<1x16xf32>,
        %get3A_709 = arith.index_cast %scan3A_602 : i32 to index
        %get3A_710 = arith.constant 144 : index
        %get3A_711 = tpu.vector_load %arg5[%get3A_709, %get3A_710] {strides = array<i32>} : memref<64x256xf32, #tpu.memory_space<vmem>>, vector<1x16xf32>,
        %get3A_712 = vector.shape_cast %get3A_711 : vector<1x16xf32> to vector<16xf32>
        %add3A_713 = arith.addf %scan3A_612, %get3A_712 : vector<16xf32>
        %swap3A_714 = arith.index_cast %scan3A_602 : i32 to index
        %swap3A_715 = arith.constant 144 : index
        %swap3A_716 = tpu.vector_load %arg7[%swap3A_714, %swap3A_715] {strides = array<i32>} : memref<64x256xf32, #tpu.memory_space<vmem>>, vector<1x16xf32>,
        %swap3A_717 = vector.shape_cast %swap3A_716 : vector<1x16xf32> to vector<16xf32>
        %swap3A_718 = vector.shape_cast %add3A_713 : vector<16xf32> to vector<1x16xf32>
        tpu.vector_store %arg7[%swap3A_714, %swap3A_715], %swap3A_718 {strides = array<i32>} : memref<64x256xf32, #tpu.memory_space<vmem>>, vector<1x16xf32>,
        %get3A_719 = arith.index_cast %scan3A_602 : i32 to index
        %get3A_720 = arith.constant 160 : index
        %get3A_721 = tpu.vector_load %arg5[%get3A_719, %get3A_720] {strides = array<i32>} : memref<64x256xf32, #tpu.memory_space<vmem>>, vector<1x16xf32>,
        %get3A_722 = vector.shape_cast %get3A_721 : vector<1x16xf32> to vector<16xf32>
        %add3A_723 = arith.addf %scan3A_613, %get3A_722 : vector<16xf32>
        %swap3A_724 = arith.index_cast %scan3A_602 : i32 to index
        %swap3A_725 = arith.constant 160 : index
        %swap3A_726 = tpu.vector_load %arg7[%swap3A_724, %swap3A_725] {strides = array<i32>} : memref<64x256xf32, #tpu.memory_space<vmem>>, vector<1x16xf32>,
        %swap3A_727 = vector.shape_cast %swap3A_726 : vector<1x16xf32> to vector<16xf32>
        %swap3A_728 = vector.shape_cast %add3A_723 : vector<16xf32> to vector<1x16xf32>
        tpu.vector_store %arg7[%swap3A_724, %swap3A_725], %swap3A_728 {strides = array<i32>} : memref<64x256xf32, #tpu.memory_space<vmem>>, vector<1x16xf32>,
        %get3A_729 = arith.index_cast %scan3A_602 : i32 to index
        %get3A_730 = arith.constant 176 : index
        %get3A_731 = tpu.vector_load %arg5[%get3A_729, %get3A_730] {strides = array<i32>} : memref<64x256xf32, #tpu.memory_space<vmem>>, vector<1x16xf32>,
        %get3A_732 = vector.shape_cast %get3A_731 : vector<1x16xf32> to vector<16xf32>
        %add3A_733 = arith.addf %scan3A_614, %get3A_732 : vector<16xf32>
        %swap3A_734 = arith.index_cast %scan3A_602 : i32 to index
        %swap3A_735 = arith.constant 176 : index
        %swap3A_736 = tpu.vector_load %arg7[%swap3A_734, %swap3A_735] {strides = array<i32>} : memref<64x256xf32, #tpu.memory_space<vmem>>, vector<1x16xf32>,
        %swap3A_737 = vector.shape_cast %swap3A_736 : vector<1x16xf32> to vector<16xf32>
        %swap3A_738 = vector.shape_cast %add3A_733 : vector<16xf32> to vector<1x16xf32>
        tpu.vector_store %arg7[%swap3A_734, %swap3A_735], %swap3A_738 {strides = array<i32>} : memref<64x256xf32, #tpu.memory_space<vmem>>, vector<1x16xf32>,
        %get3A_739 = arith.index_cast %scan3A_602 : i32 to index
        %get3A_740 = arith.constant 192 : index
        %get3A_741 = tpu.vector_load %arg5[%get3A_739, %get3A_740] {strides = array<i32>} : memref<64x256xf32, #tpu.memory_space<vmem>>, vector<1x16xf32>,
        %get3A_742 = vector.shape_cast %get3A_741 : vector<1x16xf32> to vector<16xf32>
        %add3A_743 = arith.addf %scan3A_615, %get3A_742 : vector<16xf32>
        %swap3A_744 = arith.index_cast %scan3A_602 : i32 to index
        %swap3A_745 = arith.constant 192 : index
        %swap3A_746 = tpu.vector_load %arg7[%swap3A_744, %swap3A_745] {strides = array<i32>} : memref<64x256xf32, #tpu.memory_space<vmem>>, vector<1x16xf32>,
        %swap3A_747 = vector.shape_cast %swap3A_746 : vector<1x16xf32> to vector<16xf32>
        %swap3A_748 = vector.shape_cast %add3A_743 : vector<16xf32> to vector<1x16xf32>
        tpu.vector_store %arg7[%swap3A_744, %swap3A_745], %swap3A_748 {strides = array<i32>} : memref<64x256xf32, #tpu.memory_space<vmem>>, vector<1x16xf32>,
        %get3A_749 = arith.index_cast %scan3A_602 : i32 to index
        %get3A_750 = arith.constant 208 : index
        %get3A_751 = tpu.vector_load %arg5[%get3A_749, %get3A_750] {strides = array<i32>} : memref<64x256xf32, #tpu.memory_space<vmem>>, vector<1x16xf32>,
        %get3A_752 = vector.shape_cast %get3A_751 : vector<1x16xf32> to vector<16xf32>
        %add3A_753 = arith.addf %scan3A_616, %get3A_752 : vector<16xf32>
        %swap3A_754 = arith.index_cast %scan3A_602 : i32 to index
        %swap3A_755 = arith.constant 208 : index
        %swap3A_756 = tpu.vector_load %arg7[%swap3A_754, %swap3A_755] {strides = array<i32>} : memref<64x256xf32, #tpu.memory_space<vmem>>, vector<1x16xf32>,
        %swap3A_757 = vector.shape_cast %swap3A_756 : vector<1x16xf32> to vector<16xf32>
        %swap3A_758 = vector.shape_cast %add3A_753 : vector<16xf32> to vector<1x16xf32>
        tpu.vector_store %arg7[%swap3A_754, %swap3A_755], %swap3A_758 {strides = array<i32>} : memref<64x256xf32, #tpu.memory_space<vmem>>, vector<1x16xf32>,
        %get3A_759 = arith.index_cast %scan3A_602 : i32 to index
        %get3A_760 = arith.constant 224 : index
        %get3A_761 = tpu.vector_load %arg5[%get3A_759, %get3A_760] {strides = array<i32>} : memref<64x256xf32, #tpu.memory_space<vmem>>, vector<1x16xf32>,
        %get3A_762 = vector.shape_cast %get3A_761 : vector<1x16xf32> to vector<16xf32>
        %add3A_763 = arith.addf %scan3A_617, %get3A_762 : vector<16xf32>
        %swap3A_764 = arith.index_cast %scan3A_602 : i32 to index
        %swap3A_765 = arith.constant 224 : index
        %swap3A_766 = tpu.vector_load %arg7[%swap3A_764, %swap3A_765] {strides = array<i32>} : memref<64x256xf32, #tpu.memory_space<vmem>>, vector<1x16xf32>,
        %swap3A_767 = vector.shape_cast %swap3A_766 : vector<1x16xf32> to vector<16xf32>
        %swap3A_768 = vector.shape_cast %add3A_763 : vector<16xf32> to vector<1x16xf32>
        tpu.vector_store %arg7[%swap3A_764, %swap3A_765], %swap3A_768 {strides = array<i32>} : memref<64x256xf32, #tpu.memory_space<vmem>>, vector<1x16xf32>,
        %get3A_769 = arith.index_cast %scan3A_602 : i32 to index
        %get3A_770 = arith.constant 240 : index
        %get3A_771 = tpu.vector_load %arg5[%get3A_769, %get3A_770] {strides = array<i32>} : memref<64x256xf32, #tpu.memory_space<vmem>>, vector<1x16xf32>,
        %get3A_772 = vector.shape_cast %get3A_771 : vector<1x16xf32> to vector<16xf32>
        %add3A_773 = arith.addf %scan3A_618, %get3A_772 : vector<16xf32>
        %swap3A_774 = arith.index_cast %scan3A_602 : i32 to index
        %swap3A_775 = arith.constant 240 : index
        %swap3A_776 = tpu.vector_load %arg7[%swap3A_774, %swap3A_775] {strides = array<i32>} : memref<64x256xf32, #tpu.memory_space<vmem>>, vector<1x16xf32>,
        %swap3A_777 = vector.shape_cast %swap3A_776 : vector<1x16xf32> to vector<16xf32>
        %swap3A_778 = vector.shape_cast %add3A_773 : vector<16xf32> to vector<1x16xf32>
        tpu.vector_store %arg7[%swap3A_774, %swap3A_775], %swap3A_778 {strides = array<i32>} : memref<64x256xf32, #tpu.memory_space<vmem>>, vector<1x16xf32>,
        scf.yield %add3A_623, %add3A_633, %add3A_643, %add3A_653, %add3A_663, %add3A_673, %add3A_683, %add3A_693, %add3A_703, %add3A_713, %add3A_723, %add3A_733, %add3A_743, %add3A_753, %add3A_763, %add3A_773 : vector<16xf32>, vector<16xf32>, vector<16xf32>, vector<16xf32>, vector<16xf32>, vector<16xf32>, vector<16xf32>, vector<16xf32>, vector<16xf32>, vector<16xf32>, vector<16xf32>, vector<16xf32>, vector<16xf32>, vector<16xf32>, vector<16xf32>, vector<16xf32>
      }
      %scan3A_492 = arith.constant 64 : i32
      %swap3A_493 = arith.constant 0 : i32
      %swap3A_494 = arith.index_cast %swap3A_493 : i32 to index
      %swap3A_495 = arith.constant 0 : index
      %swap3A_496 = tpu.vector_load %arg8[%swap3A_494, %swap3A_495] {strides = array<i32>} : memref<1x256xf32, #tpu.memory_space<vmem>>, vector<1x16xf32>,
      %swap3A_497 = vector.shape_cast %swap3A_496 : vector<1x16xf32> to vector<16xf32>
      %swap3A_498 = vector.shape_cast %scan3A_491#0 : vector<16xf32> to vector<1x16xf32>
      tpu.vector_store %arg8[%swap3A_494, %swap3A_495], %swap3A_498 {strides = array<i32>} : memref<1x256xf32, #tpu.memory_space<vmem>>, vector<1x16xf32>,
      %swap3A_499 = arith.constant 0 : i32
      %swap3A_500 = arith.index_cast %swap3A_499 : i32 to index
      %swap3A_501 = arith.constant 16 : index
      %swap3A_502 = tpu.vector_load %arg8[%swap3A_500, %swap3A_501] {strides = array<i32>} : memref<1x256xf32, #tpu.memory_space<vmem>>, vector<1x16xf32>,
      %swap3A_503 = vector.shape_cast %swap3A_502 : vector<1x16xf32> to vector<16xf32>
      %swap3A_504 = vector.shape_cast %scan3A_491#1 : vector<16xf32> to vector<1x16xf32>
      tpu.vector_store %arg8[%swap3A_500, %swap3A_501], %swap3A_504 {strides = array<i32>} : memref<1x256xf32, #tpu.memory_space<vmem>>, vector<1x16xf32>,
      %swap3A_505 = arith.constant 0 : i32
      %swap3A_506 = arith.index_cast %swap3A_505 : i32 to index
      %swap3A_507 = arith.constant 32 : index
      %swap3A_508 = tpu.vector_load %arg8[%swap3A_506, %swap3A_507] {strides = array<i32>} : memref<1x256xf32, #tpu.memory_space<vmem>>, vector<1x16xf32>,
      %swap3A_509 = vector.shape_cast %swap3A_508 : vector<1x16xf32> to vector<16xf32>
      %swap3A_510 = vector.shape_cast %scan3A_491#2 : vector<16xf32> to vector<1x16xf32>
      tpu.vector_store %arg8[%swap3A_506, %swap3A_507], %swap3A_510 {strides = array<i32>} : memref<1x256xf32, #tpu.memory_space<vmem>>, vector<1x16xf32>,
      %swap3A_511 = arith.constant 0 : i32
      %swap3A_512 = arith.index_cast %swap3A_511 : i32 to index
      %swap3A_513 = arith.constant 48 : index
      %swap3A_514 = tpu.vector_load %arg8[%swap3A_512, %swap3A_513] {strides = array<i32>} : memref<1x256xf32, #tpu.memory_space<vmem>>, vector<1x16xf32>,
      %swap3A_515 = vector.shape_cast %swap3A_514 : vector<1x16xf32> to vector<16xf32>
      %swap3A_516 = vector.shape_cast %scan3A_491#3 : vector<16xf32> to vector<1x16xf32>
      tpu.vector_store %arg8[%swap3A_512, %swap3A_513], %swap3A_516 {strides = array<i32>} : memref<1x256xf32, #tpu.memory_space<vmem>>, vector<1x16xf32>,
      %swap3A_517 = arith.constant 0 : i32
      %swap3A_518 = arith.index_cast %swap3A_517 : i32 to index
      %swap3A_519 = arith.constant 64 : index
      %swap3A_520 = tpu.vector_load %arg8[%swap3A_518, %swap3A_519] {strides = array<i32>} : memref<1x256xf32, #tpu.memory_space<vmem>>, vector<1x16xf32>,
      %swap3A_521 = vector.shape_cast %swap3A_520 : vector<1x16xf32> to vector<16xf32>
      %swap3A_522 = vector.shape_cast %scan3A_491#4 : vector<16xf32> to vector<1x16xf32>
      tpu.vector_store %arg8[%swap3A_518, %swap3A_519], %swap3A_522 {strides = array<i32>} : memref<1x256xf32, #tpu.memory_space<vmem>>, vector<1x16xf32>,
      %swap3A_523 = arith.constant 0 : i32
      %swap3A_524 = arith.index_cast %swap3A_523 : i32 to index
      %swap3A_525 = arith.constant 80 : index
      %swap3A_526 = tpu.vector_load %arg8[%swap3A_524, %swap3A_525] {strides = array<i32>} : memref<1x256xf32, #tpu.memory_space<vmem>>, vector<1x16xf32>,
      %swap3A_527 = vector.shape_cast %swap3A_526 : vector<1x16xf32> to vector<16xf32>
      %swap3A_528 = vector.shape_cast %scan3A_491#5 : vector<16xf32> to vector<1x16xf32>
      tpu.vector_store %arg8[%swap3A_524, %swap3A_525], %swap3A_528 {strides = array<i32>} : memref<1x256xf32, #tpu.memory_space<vmem>>, vector<1x16xf32>,
      %swap3A_529 = arith.constant 0 : i32
      %swap3A_530 = arith.index_cast %swap3A_529 : i32 to index
      %swap3A_531 = arith.constant 96 : index
      %swap3A_532 = tpu.vector_load %arg8[%swap3A_530, %swap3A_531] {strides = array<i32>} : memref<1x256xf32, #tpu.memory_space<vmem>>, vector<1x16xf32>,
      %swap3A_533 = vector.shape_cast %swap3A_532 : vector<1x16xf32> to vector<16xf32>
      %swap3A_534 = vector.shape_cast %scan3A_491#6 : vector<16xf32> to vector<1x16xf32>
      tpu.vector_store %arg8[%swap3A_530, %swap3A_531], %swap3A_534 {strides = array<i32>} : memref<1x256xf32, #tpu.memory_space<vmem>>, vector<1x16xf32>,
      %swap3A_535 = arith.constant 0 : i32
      %swap3A_536 = arith.index_cast %swap3A_535 : i32 to index
      %swap3A_537 = arith.constant 112 : index
      %swap3A_538 = tpu.vector_load %arg8[%swap3A_536, %swap3A_537] {strides = array<i32>} : memref<1x256xf32, #tpu.memory_space<vmem>>, vector<1x16xf32>,
      %swap3A_539 = vector.shape_cast %swap3A_538 : vector<1x16xf32> to vector<16xf32>
      %swap3A_540 = vector.shape_cast %scan3A_491#7 : vector<16xf32> to vector<1x16xf32>
      tpu.vector_store %arg8[%swap3A_536, %swap3A_537], %swap3A_540 {strides = array<i32>} : memref<1x256xf32, #tpu.memory_space<vmem>>, vector<1x16xf32>,
      %swap3A_541 = arith.constant 0 : i32
      %swap3A_542 = arith.index_cast %swap3A_541 : i32 to index
      %swap3A_543 = arith.constant 128 : index
      %swap3A_544 = tpu.vector_load %arg8[%swap3A_542, %swap3A_543] {strides = array<i32>} : memref<1x256xf32, #tpu.memory_space<vmem>>, vector<1x16xf32>,
      %swap3A_545 = vector.shape_cast %swap3A_544 : vector<1x16xf32> to vector<16xf32>
      %swap3A_546 = vector.shape_cast %scan3A_491#8 : vector<16xf32> to vector<1x16xf32>
      tpu.vector_store %arg8[%swap3A_542, %swap3A_543], %swap3A_546 {strides = array<i32>} : memref<1x256xf32, #tpu.memory_space<vmem>>, vector<1x16xf32>,
      %swap3A_547 = arith.constant 0 : i32
      %swap3A_548 = arith.index_cast %swap3A_547 : i32 to index
      %swap3A_549 = arith.constant 144 : index
      %swap3A_550 = tpu.vector_load %arg8[%swap3A_548, %swap3A_549] {strides = array<i32>} : memref<1x256xf32, #tpu.memory_space<vmem>>, vector<1x16xf32>,
      %swap3A_551 = vector.shape_cast %swap3A_550 : vector<1x16xf32> to vector<16xf32>
      %swap3A_552 = vector.shape_cast %scan3A_491#9 : vector<16xf32> to vector<1x16xf32>
      tpu.vector_store %arg8[%swap3A_548, %swap3A_549], %swap3A_552 {strides = array<i32>} : memref<1x256xf32, #tpu.memory_space<vmem>>, vector<1x16xf32>,
      %swap3A_553 = arith.constant 0 : i32
      %swap3A_554 = arith.index_cast %swap3A_553 : i32 to index
      %swap3A_555 = arith.constant 160 : index
      %swap3A_556 = tpu.vector_load %arg8[%swap3A_554, %swap3A_555] {strides = array<i32>} : memref<1x256xf32, #tpu.memory_space<vmem>>, vector<1x16xf32>,
      %swap3A_557 = vector.shape_cast %swap3A_556 : vector<1x16xf32> to vector<16xf32>
      %swap3A_558 = vector.shape_cast %scan3A_491#10 : vector<16xf32> to vector<1x16xf32>
      tpu.vector_store %arg8[%swap3A_554, %swap3A_555], %swap3A_558 {strides = array<i32>} : memref<1x256xf32, #tpu.memory_space<vmem>>, vector<1x16xf32>,
      %swap3A_559 = arith.constant 0 : i32
      %swap3A_560 = arith.index_cast %swap3A_559 : i32 to index
      %swap3A_561 = arith.constant 176 : index
      %swap3A_562 = tpu.vector_load %arg8[%swap3A_560, %swap3A_561] {strides = array<i32>} : memref<1x256xf32, #tpu.memory_space<vmem>>, vector<1x16xf32>,
      %swap3A_563 = vector.shape_cast %swap3A_562 : vector<1x16xf32> to vector<16xf32>
      %swap3A_564 = vector.shape_cast %scan3A_491#11 : vector<16xf32> to vector<1x16xf32>
      tpu.vector_store %arg8[%swap3A_560, %swap3A_561], %swap3A_564 {strides = array<i32>} : memref<1x256xf32, #tpu.memory_space<vmem>>, vector<1x16xf32>,
      %swap3A_565 = arith.constant 0 : i32
      %swap3A_566 = arith.index_cast %swap3A_565 : i32 to index
      %swap3A_567 = arith.constant 192 : index
      %swap3A_568 = tpu.vector_load %arg8[%swap3A_566, %swap3A_567] {strides = array<i32>} : memref<1x256xf32, #tpu.memory_space<vmem>>, vector<1x16xf32>,
      %swap3A_569 = vector.shape_cast %swap3A_568 : vector<1x16xf32> to vector<16xf32>
      %swap3A_570 = vector.shape_cast %scan3A_491#12 : vector<16xf32> to vector<1x16xf32>
      tpu.vector_store %arg8[%swap3A_566, %swap3A_567], %swap3A_570 {strides = array<i32>} : memref<1x256xf32, #tpu.memory_space<vmem>>, vector<1x16xf32>,
      %swap3A_571 = arith.constant 0 : i32
      %swap3A_572 = arith.index_cast %swap3A_571 : i32 to index
      %swap3A_573 = arith.constant 208 : index
      %swap3A_574 = tpu.vector_load %arg8[%swap3A_572, %swap3A_573] {strides = array<i32>} : memref<1x256xf32, #tpu.memory_space<vmem>>, vector<1x16xf32>,
      %swap3A_575 = vector.shape_cast %swap3A_574 : vector<1x16xf32> to vector<16xf32>
      %swap3A_576 = vector.shape_cast %scan3A_491#13 : vector<16xf32> to vector<1x16xf32>
      tpu.vector_store %arg8[%swap3A_572, %swap3A_573], %swap3A_576 {strides = array<i32>} : memref<1x256xf32, #tpu.memory_space<vmem>>, vector<1x16xf32>,
      %swap3A_577 = arith.constant 0 : i32
      %swap3A_578 = arith.index_cast %swap3A_577 : i32 to index
      %swap3A_579 = arith.constant 224 : index
      %swap3A_580 = tpu.vector_load %arg8[%swap3A_578, %swap3A_579] {strides = array<i32>} : memref<1x256xf32, #tpu.memory_space<vmem>>, vector<1x16xf32>,
      %swap3A_581 = vector.shape_cast %swap3A_580 : vector<1x16xf32> to vector<16xf32>
      %swap3A_582 = vector.shape_cast %scan3A_491#14 : vector<16xf32> to vector<1x16xf32>
      tpu.vector_store %arg8[%swap3A_578, %swap3A_579], %swap3A_582 {strides = array<i32>} : memref<1x256xf32, #tpu.memory_space<vmem>>, vector<1x16xf32>,
      %swap3A_583 = arith.constant 0 : i32
      %swap3A_584 = arith.index_cast %swap3A_583 : i32 to index
      %swap3A_585 = arith.constant 240 : index
      %swap3A_586 = tpu.vector_load %arg8[%swap3A_584, %swap3A_585] {strides = array<i32>} : memref<1x256xf32, #tpu.memory_space<vmem>>, vector<1x16xf32>,
      %swap3A_587 = vector.shape_cast %swap3A_586 : vector<1x16xf32> to vector<16xf32>
      %swap3A_588 = vector.shape_cast %scan3A_491#15 : vector<16xf32> to vector<1x16xf32>
      tpu.vector_store %arg8[%swap3A_584, %swap3A_585], %swap3A_588 {strides = array<i32>} : memref<1x256xf32, #tpu.memory_space<vmem>>, vector<1x16xf32>,
      %mul3A_589 = arith.constant 64 : i32
      %mul3A_590 = arith.muli %add3A_395, %mul3A_589 : i32
      %dma_start3A_591 = tpu.memref_slice %arg3[%select_n3A, %mul3A_590, %mul3A_32] : memref<2x4096x4096xf32, #tpu.memory_space<hbm>> -> memref<1x64x256xf32, #tpu.memory_space<hbm>>
      %dma_start3A_592 = tpu.memref_squeeze %dma_start3A_591 : memref<1x64x256xf32, #tpu.memory_space<hbm>> -> memref<64x256xf32, #tpu.memory_space<hbm>>
      %dma_start3A_593 = tpu.memref_slice %arg3[%select_n3A, %mul3A_590, %mul3A_32] : memref<2x4096x4096xf32, #tpu.memory_space<hbm>> -> memref<1x64x256xf32, #tpu.memory_space<hbm>>
      %dma_start3A_594 = tpu.memref_squeeze %dma_start3A_593 : memref<1x64x256xf32, #tpu.memory_space<hbm>> -> memref<64x256xf32, #tpu.memory_space<hbm>>
      tpu.enqueue_dma source(%arg7 : memref<64x256xf32, #tpu.memory_space<vmem>>) target(%dma_start3A_594 : memref<64x256xf32, #tpu.memory_space<hbm>>) target_semaphore(%arg12 : memref<!tpu.dma_semaphore, #tpu.memory_space<semaphore_mem>>)
      %add3A_595 = arith.constant 2 : i32
      %add3A_596 = arith.addi %add3A_395, %add3A_595 : i32
      %lt3A_597 = arith.constant 64 : i32
      %lt3A_598 = arith.cmpi slt, %add3A_596, %lt3A_597 : i32
      %convert_element_type3A_599 = arith.extui %lt3A_598 : i1 to i32
      %cond3A_600 = arith.constant 0 : i32
      %cond3A_601 = arith.cmpi ne, %convert_element_type3A_599, %cond3A_600 : i32
      scf.if %cond3A_601 {
        %add3A_602 = arith.constant 2 : i32
        %add3A_603 = arith.addi %add3A_395, %add3A_602 : i32
        %mul3A_604 = arith.constant 64 : i32
        %mul3A_605 = arith.muli %add3A_603, %mul3A_604 : i32
        %dma_start3A_606 = tpu.memref_slice %arg2[%select_n3A, %mul3A_605, %mul3A_32] : memref<2x4096x4096xf32, #tpu.memory_space<hbm>> -> memref<1x64x256xf32, #tpu.memory_space<hbm>>
        %dma_start3A_607 = tpu.memref_squeeze %dma_start3A_606 : memref<1x64x256xf32, #tpu.memory_space<hbm>> -> memref<64x256xf32, #tpu.memory_space<hbm>>
        %dma_start3A_608 = tpu.memref_slice %arg2[%select_n3A, %mul3A_605, %mul3A_32] : memref<2x4096x4096xf32, #tpu.memory_space<hbm>> -> memref<1x64x256xf32, #tpu.memory_space<hbm>>
        %dma_start3A_609 = tpu.memref_squeeze %dma_start3A_608 : memref<1x64x256xf32, #tpu.memory_space<hbm>> -> memref<64x256xf32, #tpu.memory_space<hbm>>
        tpu.enqueue_dma source(%dma_start3A_609 : memref<64x256xf32, #tpu.memory_space<hbm>>) target(%arg5 : memref<64x256xf32, #tpu.memory_space<vmem>>) target_semaphore(%arg10 : memref<!tpu.dma_semaphore, #tpu.memory_space<semaphore_mem>>)
      } else {
      }
    }
    %scan3A_173 = arith.constant 32 : i32
    %dma_wait3A = arith.constant 3968 : i32
    %dma_wait3A_174 = tpu.memref_slice %arg3[%select_n3A, %dma_wait3A, %mul3A_32] : memref<2x4096x4096xf32, #tpu.memory_space<hbm>> -> memref<1x64x256xf32, #tpu.memory_space<hbm>>
    %dma_wait3A_175 = tpu.memref_squeeze %dma_wait3A_174 : memref<1x64x256xf32, #tpu.memory_space<hbm>> -> memref<64x256xf32, #tpu.memory_space<hbm>>
    %dma_wait3A_176 = arith.constant 3968 : i32
    %dma_wait3A_177 = tpu.memref_slice %arg3[%select_n3A, %dma_wait3A_176, %mul3A_32] : memref<2x4096x4096xf32, #tpu.memory_space<hbm>> -> memref<1x64x256xf32, #tpu.memory_space<hbm>>
    %dma_wait3A_178 = tpu.memref_squeeze %dma_wait3A_177 : memref<1x64x256xf32, #tpu.memory_space<hbm>> -> memref<64x256xf32, #tpu.memory_space<hbm>>
    tpu.wait_dma2 semaphore(%arg11 : memref<!tpu.dma_semaphore, #tpu.memory_space<semaphore_mem>>) src(%arg6 : memref<64x256xf32, #tpu.memory_space<vmem>>) dst(%dma_wait3A_178 : memref<64x256xf32, #tpu.memory_space<hbm>>)
    %dma_wait3A_179 = arith.constant 4032 : i32
    %dma_wait3A_180 = tpu.memref_slice %arg3[%select_n3A, %dma_wait3A_179, %mul3A_32] : memref<2x4096x4096xf32, #tpu.memory_space<hbm>> -> memref<1x64x256xf32, #tpu.memory_space<hbm>>
    %dma_wait3A_181 = tpu.memref_squeeze %dma_wait3A_180 : memref<1x64x256xf32, #tpu.memory_space<hbm>> -> memref<64x256xf32, #tpu.memory_space<hbm>>
    %dma_wait3A_182 = arith.constant 4032 : i32
    %dma_wait3A_183 = tpu.memref_slice %arg3[%select_n3A, %dma_wait3A_182, %mul3A_32] : memref<2x4096x4096xf32, #tpu.memory_space<hbm>> -> memref<1x64x256xf32, #tpu.memory_space<hbm>>
    %dma_wait3A_184 = tpu.memref_squeeze %dma_wait3A_183 : memref<1x64x256xf32, #tpu.memory_space<hbm>> -> memref<64x256xf32, #tpu.memory_space<hbm>>
    tpu.wait_dma2 semaphore(%arg12 : memref<!tpu.dma_semaphore, #tpu.memory_space<semaphore_mem>>) src(%arg7 : memref<64x256xf32, #tpu.memory_space<vmem>>) dst(%dma_wait3A_184 : memref<64x256xf32, #tpu.memory_space<hbm>>)
    return
  }
}

</mosaic_0001>

<sc_bundles>
// kernel: kernel.3.cloned.1.call-start
scs
__scs_entry_jumppad:
0x0: {  	(pc) =	sbr.rel $0x88, $3  }
0x1: {  	(tag) =	ssettag $0x0;
	lr =	simm.s32 $0x1  }
0x2: {  	[smem:$0x3FA0] =	sst lr;
	_ =	strace $0xD0000000  }
0x3: {  	_ = 	snop  }
0x4: {  	_ = 	snop  }
0x5: {  	_ = 	snop  }
0x6: {  	_ = 	snop  }
0x7: {  	_ = 	snop  }
__scs_overlays_trampoline_lowered:
0x8: {  	[smem:$0x3FAF] =	sst s0  }
0x9: {  	[smem:$0x3FB0] =	sst s1  }
0xa: {  	[smem:$0x3FB1] =	sst s2  }
0xb: {  	[smem:$0x3FB2] =	sst s3  }
0xc: {  	[smem:$0x3FB3] =	sst s4  }
0xd: {  	[smem:$0x3FB4] =	sst s5  }
0xe: {  	[smem:$0x3FB5] =	sst s6  }
0xf: {  	[smem:$0x3FB6] =	sst s7  }
0x10: {  	[smem:$0x3FB7] =	sst s8  }
0x11: {  	[smem:$0x3FB8] =	sst s9;
	s0 =	simm.s32 @!p0 $0x0  }
0x12: {  	s1 =	sld [smem:$0x3F9E];
	s0 =	simm.s32 @p0 $0x1  }
0x13: {  	[smem:$0x3FB9] =	sst s0;
	s0 =	simm.s32 @!p1 $0x0  }
0x14: {  	s2 =	sld [smem:$0x3F9D];
	s0 =	simm.s32 @p1 $0x1  }
0x15: {  	[smem:$0x3FBA] =	sst s0;
	s0 =	simm.s32 @!p2 $0x0  }
0x16: {  	s3 =	sld [smem:$0x3FDB];
	s0 =	simm.s32 @p2 $0x1  }
0x17: {  	s4 =	simm.s32 $0x1BF5;
	[smem:$0x3FBC] =	sst s0  }
0x18: {  	s0 =	sld [smem:$0x3F9F];
	_ =	swait.ge [sflag:s4], $0x0  }
0x19: {  	s7 =	sld [smem:$0x3FA0]  }
0x1a: {  	s8 =	sadd.s32 $0xFFFFE003, lr  }
0x1b: {  	s9 =	sadd.s32 $0xFFFFFEF7, lr;
	s5 =	simm.s32 $0xFFFFFFFF;
	p2 =	slt.u32 s8, $0xFFFFF086  }
0x1c: {  	p1 =	slt.u32 s9, $0xF7A;
	s5 =	simm.s32 @!p2 $0x0  }
0x1d: {  	s5 =	simm.s32 @p1 $0x1;
	p0 =	seq.s32 s7, s2  }
0x1e: {  	s7 =	smul.u32 @!p0 $0xF7A, s2;
	p2 =	seq.s32 @!p0 s5, $0x0  }
0x1f: {  	s9 =	smul.u32 $0xF7A, s1;
	s8 =	simm.s32 @!p0 $0x1BF5;
	p2 =	por !p2, p0  }
0x20: {  	[sflag:s8] =	ssyncset.s32 @!p0 $0xFFFFF086;
	s6 =	sadd.s32 @!p0 s3, s7;
	s7 =	simm.s32 @!p0 $0x108  }
0x21: {  	s3 =	sadd.s32 s3, s9;
	s6 =	sadd.s32 @!p0 $0x88, s6;
	s7 =	simm.s32 @p2 $0x1082  }
0x22: {  	[simem:s7], [sflag:s8] =	dma.local @!p0 [hbm:s6], $0xF7A  }
0x23: {  	s9 =	sor.u32 $0xD0000000, s2;
	s6 =	simm.s32 $0x108;
	_ =	swait.ge @!p0 [sflag:s8], $0x0  }
0x24: {  	s3 =	sadd.s32 $0x88, s3;
	s6 =	simm.s32 @!p1 $0x1082;
	[sflag:s4] =	ssyncset.s32 $0xFFFFF086  }
0x25: {  	[simem:s6], [sflag:s4] =	dma.local [hbm:s3], $0xF7A  }
0x26: {  	[smem:$0x3FA0] =	sst s1;
	(tag) =	ssettag s2;
	_ =	strace s9  }
0x27: {  	s1 =	sld [smem:$0x3FB0]  }
0x28: {  	s2 =	sld [smem:$0x3FB1]  }
0x29: {  	s4 =	sld [smem:$0x3FB3]  }
0x2a: {  	p0 =	seq.s32 s5, $0x0;
	s5 =	sld [smem:$0x3FB4]  }
0x2b: {  	s6 =	sld [smem:$0x3FB5]  }
0x2c: {  	s7 =	sld [smem:$0x3FB6]  }
0x2d: {  	s3 =	simm.s32 $0x108;
	s8 =	sld [smem:$0x3FB7]  }
0x2e: {  	s3 =	simm.s32 @!p0 $0x1082;
	s9 =	sld [smem:$0x3FB8]  }
0x2f: {  	lr =	sadd.s32 s0, s3;
	s0 =	sld [smem:$0x3FAF]  }
0x30: {  	s3 =	sld [smem:$0x3FB2]  }
0x31: {  	[smem:$0x3FBB] =	sst s10  }
0x32: {  	s10 =	sld [smem:$0x3FB9];
	_ =	sdelay $0x3  }
0x33: {  	p0 =	seq.s32 s10, $0x1;
	s10 =	sld [smem:$0x3FBB];
	_ =	sdelay $0x3  }
0x34: {  	[smem:$0x3FBB] =	sst s10  }
0x35: {  	s10 =	sld [smem:$0x3FBA];
	_ =	sdelay $0x3  }
0x36: {  	p1 =	seq.s32 s10, $0x1;
	s10 =	sld [smem:$0x3FBB];
	_ =	sdelay $0x3  }
0x37: {  	[smem:$0x3FBB] =	sst s10  }
0x38: {  	s10 =	sld [smem:$0x3FBC]  }
0x39: {  	_ = 	snop;
	(pc) =	sbr.ind lr, $3  }
0x3a: {  	_ = 	snop  }
0x3b: {  	_ = 	snop  }
0x3c: {  	p2 =	seq.s32 s10, $0x1;
	s10 =	sld [smem:$0x3FBB]  }
0x3d: {  	_ =	shalt  }
0x3e: {  	_ =	shalt  }
0x3f: {  	_ =	shalt  }
0x40: {  	_ =	shalt  }
0x41: {  	_ =	shalt  }
0x42: {  	_ =	shalt  }
0x43: {  	_ =	shalt  }
0x44: {  	_ =	shalt  }
0x45: {  	_ =	shalt  }
0x46: {  	_ =	shalt  }
0x47: {  	_ =	shalt  }
0x48: {  	_ =	shalt  }
0x49: {  	_ =	shalt  }
0x4a: {  	_ =	shalt  }
0x4b: {  	_ =	shalt  }
0x4c: {  	_ =	shalt  }
0x4d: {  	_ =	shalt  }
0x4e: {  	_ =	shalt  }
0x4f: {  	_ =	shalt  }
0x50: {  	_ =	shalt  }
0x51: {  	_ =	shalt  }
0x52: {  	_ =	shalt  }
0x53: {  	_ =	shalt  }
0x54: {  	_ =	shalt  }
0x55: {  	_ =	shalt  }
0x56: {  	_ =	shalt  }
0x57: {  	_ =	shalt  }
0x58: {  	_ =	shalt  }
0x59: {  	_ =	shalt  }
0x5a: {  	_ =	shalt  }
0x5b: {  	_ =	shalt  }
0x5c: {  	_ =	shalt  }
0x5d: {  	_ =	shalt  }
0x5e: {  	_ =	shalt  }
0x5f: {  	_ =	shalt  }
0x60: {  	_ =	shalt  }
0x61: {  	_ =	shalt  }
0x62: {  	_ =	shalt  }
0x63: {  	_ =	shalt  }
0x64: {  	_ =	shalt  }
0x65: {  	_ =	shalt  }
0x66: {  	_ =	shalt  }
0x67: {  	_ =	shalt  }
0x68: {  	_ =	shalt  }
0x69: {  	_ =	shalt  }
0x6a: {  	_ =	shalt  }
0x6b: {  	_ =	shalt  }
0x6c: {  	_ =	shalt  }
0x6d: {  	_ =	shalt  }
0x6e: {  	_ =	shalt  }
0x6f: {  	_ =	shalt  }
0x70: {  	_ =	shalt  }
0x71: {  	_ =	shalt  }
0x72: {  	_ =	shalt  }
0x73: {  	_ =	shalt  }
0x74: {  	_ =	shalt  }
0x75: {  	_ =	shalt  }
0x76: {  	_ =	shalt  }
0x77: {  	_ =	shalt  }
0x78: {  	_ =	shalt  }
0x79: {  	_ =	shalt  }
0x7a: {  	_ =	shalt  }
0x7b: {  	_ =	shalt  }
0x7c: {  	_ =	shalt  }
0x7d: {  	_ =	shalt  }
0x7e: {  	_ =	shalt  }
0x7f: {  	_ =	shalt  }
0x80: {  	_ =	shalt  }
0x81: {  	_ =	shalt  }
0x82: {  	_ =	shalt  }
0x83: {  	_ =	shalt  }
0x84: {  	_ =	shalt  }
0x85: {  	_ =	shalt  }
0x86: {  	_ =	shalt  }
0x87: {  	_ =	shalt  }
.Lfunc_end0:
.L_simem_size_0:
called_computation_lowered:
.L_overlay_start_0:
0x88: {  	s2 =	sld [smem:$0x3FD9]  }
0x89: {  	s3 =	sld [smem:$0x3FFE];
	_ =	sdelay $0x1  }
0x8a: {  	s1 =	srdreg.scid  }
0x8b: {  	s0 =	sand.u32 $0x1, s1  }
0x8c: {  	s18 =	sshll.u32 s0, $0xA;
	s2 =	sadd.s32 s3, s2  }
0x8d: {  	s2 =	sadd.s32 s2, s18  }
0x8e: {  	[smem:$0x3FC7] =	sst s2  }
0x8f: {  	_ = 	snop  }
0x90: {  	s2 =	sld [smem:$0x3FC9]  }
0x91: {  	s19 =	sld [smem:$0x3FD0];
	(tm) =	ssettm $0x1  }
0x92: {  	s4 =	sld [smem:$0x3FFB];
	_ =	sdelay $0x3  }
0x93: {  	_ =	strace s4  }
0x94: {  	s4 =	sld [smem:$0x3FFC];
	_ =	sdelay $0x3  }
0x95: {  	_ =	strace s4  }
0x96: {  	s4 =	sld [smem:$0x3FFD];
	_ =	sdelay $0x3  }
0x97: {  	_ =	strace s4  }
0x98: {  	_ =	strace $0x8FFFFFFF  }
0x99: {  	s20 =	sld [smem:$0x3FDB];
	_ =	sdelay $0x1  }
0x9a: {  	s5 =	simm.s32 $_scs_section_size  }
0x9b: {  	s6 =	simm.s32 $_size__tile_overlayer_lowered;
	s7 =	simm.s32 $_tile_overlayer_lowered  }
0x9c: {  	s23 =	simm.s32 $0x1BFF;
	s22 =	sshll.u32 s7, $0x1;
	s4 =	sadd.s32 s5, s20  }
0x9d: {  	s8 =	simm.s32 $0x0;
	s21 =	sshll.u32 s6, $0x1;
	s6 =	sadd.s32 s22, s4  }
0x9e: {  	[timem:s8], [sflag:s23] =	dma.local [hbm:s6], s21  }
0x9f: {  	_ =	swait.ge [sflag:s23], s21  }
0xa0: {  	s5 =	ssub.s32 $0x0, s21;
	[sflag:s23] =	ssyncset.done $0x0  }
0xa1: {  	[sflag:s23] =	ssyncadd.s32 s5;
	_ =	sdelay $0x1  }
0xa2: {  	s24 =	simm.s32 $0x1B8B  }
0xa3: {  	_ =	swait.ge [sflag:s24], $0x1  }
0xa4: {  	[sflag:s24] =	ssyncset.done $0x0  }
0xa5: {  	s25 =	simm.s32 $0x1B8E;
	[sflag:s24] =	ssyncadd.s32 $0xFFFFFFFF  }
0xa6: {  	s26 =	simm.s32 $execute0_lowered;
	[smem:$0x3FD2] =	sst s25  }
0xa7: {  	s5 =	sshll.u32 s26, $0x1;
	_ =	strace $0x80000046;
	[dreg:$0x1] =	wrdreg $0xFFFFFFFF  }
0xa8: {  	s28 =	simm.s32 $_size_execute0_lowered;
	s4 =	sadd.s32 s4, s5;
	[dreg:$0x0] =	wrdreg $0x0  }
0xa9: {  	s5 =	sshll.u32 s28, $0x1;
	[dreg:$0x2] =	wrdreg s4  }
0xaa: {  	[dreg:$0x3] =	wrdreg s5  }
0xab: {  	[dreg:$0x4] =	wrdreg $0xC0  }
0xac: {  	_ =	task [dreg:s8], $0x5FFFF  }
0xad: {  	[dreg:$0x1] =	wrdreg $0xFFFFFFFF  }
0xae: {  	[dreg:$0x0] =	wrdreg $0x60  }
0xaf: {  	[dreg:$0x2] =	wrdreg s2  }
0xb0: {  	[dreg:$0x3] =	wrdreg s19  }
0xb1: {  	[dreg:$0x4] =	wrdreg $0x9  }
0xb2: {  	_ =	task.clear_ibuf [dreg:s8], $0x5FFFF;
	_ =	strace $0x90000046  }
0xb3: {  	s29 =	simm.s32 $0x9;
	_ =	strace $0x80000048  }
0xb4: {  	_ =	swait.ge [sflag:s29], $0x1  }
0xb5: {  	[sflag:s29] =	ssyncadd.s32 $0xFFFFFFFF  }
0xb6: {  	_ =	strace $0x90000048  }
0xb7: {  	_ =	sfence  }
0xb8: {  	s30 =	sld [smem:$0x0];
	_ =	sdelay $0x2  }
0xb9: {  	s31 =	sshll.u32 s1, $0xD;
	s1 =	sshrl.u32 s1, $0x2  }
0xba: {  	s3 =	sand.u32 $0x4000, s31;
	s1 =	sadd.s32 s1, s30  }
0xbb: {  	s0 =	sor.u32 s3, s0;
	s1 =	sshll.u32 s1, $0x11  }
0xbc: {  	s0 =	sor.u32 s1, s0  }
0xbd: {  	s0 =	sadd.s32 $0x8F2B, s0  }
0xbe: {  	[sflag:s0] =	ssyncadd.remote.s32 $0x1  }
0xbf: {  	_ =	sfence.sel $0xFFFF  }
0xc0: {  	[dreg:$0x0] =	wrdreg $0xFFFFFFFF;
	(pc) =	sbr.abs _section_cstart, $3  }
0xc1: {  	[dreg:$0x1] =	wrdreg $0xFFFFFFFF  }
0xc2: {  	_ =	task.clear_ibuf [dreg:s8], $0x2FFFF;
	_ =	strace $0x9FFFFFFF  }
0xc3: {  	(tm) =	ssettm $0x7FFFFFFF  }
tec
execute0_lowered:
.L_overlay_start_1:
0x0: {  	(tag) =	ssettag $0x1  }
0x1: {  	s0 =	stileid.u32;
	s1 =	srdreg.scid  }
0x2: {  	s3 =	rddreg [dreg:$0x1];
	s11 =	simm.s32 $0x800;
	s12 =	simm.s32 $0x8000  }
0x3: {  	s13 =	simm.s32 $0x4000;
	s14 =	simm.s32 $0x1;
	s15 =	simm.s32 $0x2  }
0x4: {  	s16 =	simm.s32 $0x4;
	s17 =	simm.s32 $0xC000;
	s18 =	simm.s32 $0x3  }
0x5: {  	s19 =	simm.s32 $0x0;
	s2 =	sshll.u32 s0, $0x1;
	s6 =	sand.u32 $0x1, s1  }
0x6: {  	s4 =	sshll.u32 s0, $0x15;
	s30 =	sand.u32 $0xE, s2;
	s2 =	rddreg [dreg:$0x0]  }
0x7: {  	s4 =	sand.u32 $0x1000000, s4;
	s7 =	ssub.s32 $0x2, s6;
	s1 =	sor.u32 s6, s30  }
.Ltmp0:
0x8: {  	s8 =	sshrl.u32 s7, $0x1;
	s5 =	sshll.u32 s1, $0xB;
	(pc) =	sbr.rel .LBB2_1-.Ltmp0, $4  }
0x9: {  	s1 =	rddreg [dreg:$0x2];
	s10 =	ssub.s32 s7, s8;
	s4 =	sor.u32 s4, s5  }
0xa: {  	s5 =	simm.s32 $0x0;
	s10 =	smax.u32 s10, $0x1;
	s31 =	sshrl.u32 s4, $0x3  }
0xb: {  	[smem:$0x7FF] =	sst s5;
	s8 =	sor.u32 $0x80000, s4;
	s6 =	sadd.s32 s2, s31  }
0xc: {  	v0 =	vimm.f32 $0.0e+00;
	s9 =	sor.u32 $0xC0000, s4;
	_ =	strace $0x80000047;
	s7 =	sadd.s32 $0x8000, s6  }
.LBB2_12:
0xd: {  	s19 =	sadd.s32 $0x1, s19  }
0xe: {  	_ =	swait.ge [sflag:s18], $0x4000;
	p0 =	sne.s32 s19, s10  }
.Ltmp1:
0xf: {  	[sflag:s18] =	ssyncset.done $0x0;
	(pc) =	sbr.rel @!p0 .LBB2_13-.Ltmp1, $4  }
0x10: {  	[sflag:s18] =	ssyncadd.s32 $0xFFFFC000  }
0x11: {  	_ =	swait.ge [sflag:s16], $0x4000  }
0x12: {  	[sflag:s16] =	ssyncset.done $0x0  }
0x13: {  	[sflag:s16] =	ssyncadd.s32 $0xFFFFC000  }
.LBB2_1:
0x14: {  	[tilespmem:$0x10000] =	vst v0  }
0x15: {  	[tilespmem:$0x10010] =	vst v0  }
0x16: {  	[tilespmem:$0x10020] =	vst v0  }
0x17: {  	[tilespmem:$0x10030] =	vst v0  }
0x18: {  	[tilespmem:$0x10040] =	vst v0  }
0x19: {  	[tilespmem:$0x10050] =	vst v0  }
0x1a: {  	[tilespmem:$0x10060] =	vst v0  }
0x1b: {  	[tilespmem:$0x10070] =	vst v0  }
0x1c: {  	[tilespmem:$0x10080] =	vst v0  }
0x1d: {  	[tilespmem:$0x10090] =	vst v0  }
0x1e: {  	[tilespmem:$0x100A0] =	vst v0  }
0x1f: {  	[tilespmem:$0x100B0] =	vst v0  }
0x20: {  	[tilespmem:$0x100C0] =	vst v0  }
0x21: {  	[tilespmem:$0x100D0] =	vst v0  }
0x22: {  	[tilespmem:$0x100E0] =	vst v0  }
0x23: {  	[tilespmem:$0x100F0] =	vst v0  }
0x24: {  	[tilespmem:s5], [sflag:$0x1] =	stream.strided.gather [hbm4b:s6+s11], $0x4000, s12, s11, $0x38;
	[tilespmem:$0x10100] =	vst v63  }
0x25: {  	s20 =	simm.s32 $0x0  }
0x26: {  	[tilespmem:s13], [sflag:$0x2] =	stream.strided.gather [hbm4b:s7+s11], $0x4000, s12, s11, $0x38;
	[tilespmem:$0x10100] =	vst v63  }
.LBB2_2:
0x27: {  	_ =	swait.ge [sflag:s14], $0x4000  }
0x28: {  	p0 =	seq.s32 s20, $0x0;
	[sflag:s14] =	ssyncset.done $0x0  }
0x29: {  	s21 =	simm.s32 @!p0 $0x3;
	[sflag:s14] =	ssyncadd.s32 $0xFFFFC000  }
0x2a: {  	_ =	swait.ge @!p0 [sflag:s21], $0x4000  }
0x2b: {  	[sflag:s21] =	ssyncset.done @!p0 $0x0  }
0x2c: {  	[sflag:s21] =	ssyncadd.s32 @!p0 $0xFFFFC000  }
0x2d: {  	v8 =	vld [tilespmem:$0x10000]  }
0x2e: {  	v9 =	vld [tilespmem:$0x10010]  }
0x2f: {  	v10 =	vld [tilespmem:$0x10020]  }
0x30: {  	v11 =	vld [tilespmem:$0x10030]  }
0x31: {  	v12 =	vld [tilespmem:$0x10040]  }
0x32: {  	v13 =	vld [tilespmem:$0x10050]  }
0x33: {  	v15 =	vld [tilespmem:$0x10060]  }
0x34: {  	v16 =	vld [tilespmem:$0x10070]  }
0x35: {  	v21 =	vld [tilespmem:$0x10080]  }
0x36: {  	v6 =	vld [tilespmem:$0x10090]  }
0x37: {  	v5 =	vld [tilespmem:$0x100A0]  }
0x38: {  	v4 =	vld [tilespmem:$0x100B0]  }
0x39: {  	v3 =	vld [tilespmem:$0x100C0]  }
0x3a: {  	s31 =	simm.s32 $0x0;
	v2 =	vld [tilespmem:$0x100D0]  }
0x3b: {  	s22 =	sand.u32 $0x3800, s31;
	s21 =	sand.u32 $0x380, s31;
	v1 =	vld [tilespmem:$0x100E0]  }
0x3c: {  	v7 =	vld [tilespmem:$0x100F0];
	s22 =	sor.u32 s21, s22  }
0x3d: {  	v14 =	vld [tilespmem:s22+$0x470]  }
0x3e: {  	v17 =	vld [tilespmem:s22+$0x0]  }
0x3f: {  	v18 =	vld [tilespmem:s22+$0x10]  }
0x40: {  	v19 =	vld [tilespmem:s22+$0x20]  }
0x41: {  	v20 =	vld [tilespmem:s22+$0x30]  }
0x42: {  	v22 =	vld [tilespmem:s22+$0x40];
	v7 =	vadd.f32 v14, v7  }
0x43: {  	v23 =	vld [tilespmem:s22+$0x50];
	v8 =	vadd.f32 v17, v8  }
0x44: {  	v24 =	vld [tilespmem:s22+$0x60];
	v14 =	vadd.f32 v18, v9;
	[tilespmem:s22+$0x8470] =	vst v7  }
0x45: {  	v25 =	vld [tilespmem:s22+$0x70];
	v9 =	vadd.f32 v19, v10;
	[tilespmem:s22+$0x8000] =	vst v8  }
0x46: {  	v26 =	vld [tilespmem:s22+$0x400];
	v10 =	vadd.f32 v20, v11;
	[tilespmem:s22+$0x8010] =	vst v14  }
0x47: {  	v20 =	vld [tilespmem:s22+$0x410];
	v11 =	vadd.f32 v22, v12;
	[tilespmem:s22+$0x8020] =	vst v9  }
0x48: {  	v17 =	vld [tilespmem:s22+$0x420];
	v12 =	vadd.f32 v23, v13;
	[tilespmem:s22+$0x8030] =	vst v10  }
0x49: {  	s24 =	simm.s32 $0x100;
	v18 =	vld [tilespmem:s22+$0x430];
	v13 =	vadd.f32 v24, v15;
	[tilespmem:s22+$0x8040] =	vst v11  }
0x4a: {  	s23 =	simm.s32 $0x80;
	s25 =	sand.u32 $0x3800, s24;
	v19 =	vld [tilespmem:s22+$0x440];
	v15 =	vadd.f32 v25, v16;
	[tilespmem:s22+$0x8050] =	vst v12  }
0x4b: {  	s26 =	sand.u32 $0x380, s23;
	s24 =	simm.s32 $0x200;
	s21 =	sshll.u32 s20, $0x13;
	v16 =	vadd.f32 v26, v21;
	v21 =	vld [tilespmem:s22+$0x450];
	[tilespmem:s22+$0x8060] =	vst v13  }
.LBB2_3:
0x4c: {  	p1 =	sne.s32 s24, $0x3F00;
	s25 =	sor.u32 s26, s25;
	[tilespmem:s22+$0x8070] =	vst v15;
	v6 =	vadd.f32 v20, v6;
	v20 =	vld [tilespmem:s22+$0x460]  }
0x4d: {  	v22 =	vld [tilespmem:s25+$0x470];
	[tilespmem:s22+$0x8400] =	vst v16;
	v5 =	vadd.f32 v17, v5  }
0x4e: {  	v17 =	vld [tilespmem:s25+$0x0];
	[tilespmem:s22+$0x8410] =	vst v6;
	v4 =	vadd.f32 v18, v4  }
0x4f: {  	v18 =	vld [tilespmem:s25+$0x10];
	[tilespmem:s22+$0x8420] =	vst v5;
	v3 =	vadd.f32 v19, v3  }
0x50: {  	v19 =	vld [tilespmem:s25+$0x20];
	[tilespmem:s22+$0x8430] =	vst v4;
	v2 =	vadd.f32 v21, v2  }
0x51: {  	v21 =	vld [tilespmem:s25+$0x30];
	[tilespmem:s22+$0x8440] =	vst v3;
	v1 =	vadd.f32 v20, v1  }
0x52: {  	v20 =	vld [tilespmem:s25+$0x40];
	v7 =	vadd.f32 v22, v7;
	[tilespmem:s22+$0x8450] =	vst v2  }
0x53: {  	v8 =	vadd.f32 v17, v8;
	v17 =	vld [tilespmem:s25+$0x50];
	[tilespmem:s22+$0x8460] =	vst v1;
	s22 =	smov.u32 s25  }
0x54: {  	v14 =	vadd.f32 v18, v14;
	v18 =	vld [tilespmem:s22+$0x60];
	[tilespmem:s22+$0x8470] =	vst v7  }
0x55: {  	[tilespmem:s22+$0x8000] =	vst v8;
	v9 =	vadd.f32 v19, v9;
	v19 =	vld [tilespmem:s22+$0x70]  }
0x56: {  	[tilespmem:s22+$0x8010] =	vst v14;
	v10 =	vadd.f32 v21, v10;
	v21 =	vld [tilespmem:s22+$0x400]  }
.Ltmp2:
0x57: {  	[tilespmem:s22+$0x8020] =	vst v9;
	v11 =	vadd.f32 v20, v11;
	v20 =	vld [tilespmem:s22+$0x410];
	(pc) =	sbr.rel @p1 .LBB2_3-.Ltmp2, $4  }
0x58: {  	[tilespmem:s22+$0x8030] =	vst v10;
	v12 =	vadd.f32 v17, v12;
	v17 =	vld [tilespmem:s22+$0x420]  }
0x59: {  	[tilespmem:s22+$0x8040] =	vst v11;
	v13 =	vadd.f32 v18, v13;
	v18 =	vld [tilespmem:s22+$0x430]  }
0x5a: {  	s23 =	sadd.s32 $0x80, s23;
	[tilespmem:s22+$0x8050] =	vst v12;
	v15 =	vadd.f32 v19, v15;
	v19 =	vld [tilespmem:s22+$0x440]  }
0x5b: {  	s26 =	sand.u32 $0x380, s23;
	s25 =	sand.u32 $0x3800, s24;
	s24 =	sadd.s32 $0x100, s24;
	[tilespmem:s22+$0x8060] =	vst v13;
	v16 =	vadd.f32 v21, v16;
	v21 =	vld [tilespmem:s22+$0x450]  }
0x5c: {  	[tilespmem:s22+$0x8070] =	vst v15;
	s23 =	sor.u32 s26, s25;
	v22 =	vld [tilespmem:s22+$0x460];
	v6 =	vadd.f32 v20, v6  }
0x5d: {  	v23 =	vld [tilespmem:s23+$0x470];
	[tilespmem:s22+$0x8400] =	vst v16;
	v5 =	vadd.f32 v17, v5  }
0x5e: {  	v47 =	vld [tilespmem:s23+$0x0];
	[tilespmem:s22+$0x8410] =	vst v6;
	v4 =	vadd.f32 v18, v4  }
0x5f: {  	v48 =	vld [tilespmem:s23+$0x10];
	[tilespmem:s22+$0x8420] =	vst v5;
	v3 =	vadd.f32 v19, v3  }
0x60: {  	v49 =	vld [tilespmem:s23+$0x20];
	[tilespmem:s22+$0x8430] =	vst v4;
	v2 =	vadd.f32 v21, v2  }
0x61: {  	v50 =	vld [tilespmem:s23+$0x30];
	[tilespmem:s22+$0x8440] =	vst v3;
	v1 =	vadd.f32 v22, v1  }
0x62: {  	v51 =	vld [tilespmem:s23+$0x40];
	[tilespmem:s22+$0x8450] =	vst v2;
	v7 =	vadd.f32 v23, v7  }
0x63: {  	v52 =	vld [tilespmem:s23+$0x50];
	v8 =	vadd.f32 v47, v8;
	[tilespmem:s22+$0x8460] =	vst v1  }
0x64: {  	v14 =	vadd.f32 v48, v14;
	v53 =	vld [tilespmem:s23+$0x60];
	[tilespmem:s23+$0x8470] =	vst v7  }
0x65: {  	v54 =	vld [tilespmem:s23+$0x70];
	[tilespmem:s23+$0x8000] =	vst v8;
	v9 =	vadd.f32 v49, v9  }
0x66: {  	v55 =	vld [tilespmem:s23+$0x400];
	[tilespmem:s23+$0x8010] =	vst v14;
	v10 =	vadd.f32 v50, v10  }
0x67: {  	v56 =	vld [tilespmem:s23+$0x410];
	[tilespmem:s23+$0x8020] =	vst v9;
	v11 =	vadd.f32 v51, v11  }
0x68: {  	v57 =	vld [tilespmem:s23+$0x420];
	[tilespmem:s23+$0x8030] =	vst v10;
	v12 =	vadd.f32 v52, v12  }
0x69: {  	v58 =	vld [tilespmem:s23+$0x430];
	[tilespmem:s23+$0x8040] =	vst v11;
	v13 =	vadd.f32 v53, v13  }
0x6a: {  	v60 =	vld [tilespmem:s23+$0x440];
	v59 =	vadd.f32 v54, v15;
	[tilespmem:s23+$0x8050] =	vst v12  }
0x6b: {  	v62 =	vld [tilespmem:s23+$0x450];
	v61 =	vadd.f32 v55, v16;
	[tilespmem:s23+$0x8060] =	vst v13  }
0x6c: {  	v63 =	vld [tilespmem:s23+$0x460];
	v6 =	vadd.f32 v56, v6;
	[tilespmem:s23+$0x8070] =	vst v59  }
0x6d: {  	v5 =	vadd.f32 v57, v5;
	[tilespmem:s23+$0x8400] =	vst v61  }
0x6e: {  	v4 =	vadd.f32 v58, v4;
	[tilespmem:s23+$0x8410] =	vst v6  }
0x6f: {  	v3 =	vadd.f32 v60, v3;
	[tilespmem:s23+$0x8420] =	vst v5  }
0x70: {  	v2 =	vadd.f32 v62, v2;
	[tilespmem:s23+$0x8430] =	vst v4  }
0x71: {  	v1 =	vadd.f32 v63, v1;
	[tilespmem:s23+$0x8440] =	vst v3  }
0x72: {  	[tilespmem:s23+$0x8450] =	vst v2  }
0x73: {  	[tilespmem:s23+$0x8460] =	vst v1  }
0x74: {  	[tilespmem:$0x10000] =	vst v8  }
0x75: {  	[tilespmem:$0x10010] =	vst v14  }
0x76: {  	[tilespmem:$0x10020] =	vst v9  }
0x77: {  	[tilespmem:$0x10030] =	vst v10  }
0x78: {  	[tilespmem:$0x10040] =	vst v11  }
0x79: {  	[tilespmem:$0x10050] =	vst v12  }
0x7a: {  	[tilespmem:$0x10060] =	vst v13  }
0x7b: {  	[tilespmem:$0x10070] =	vst v59  }
0x7c: {  	[tilespmem:$0x10080] =	vst v61  }
0x7d: {  	[tilespmem:$0x10090] =	vst v6  }
0x7e: {  	[tilespmem:$0x100A0] =	vst v5  }
0x7f: {  	p1 =	sne.s32 s20, $0x1F;
	[tilespmem:$0x100B0] =	vst v4  }
.Ltmp3:
0x80: {  	[tilespmem:$0x100C0] =	vst v3;
	(pc) =	sbr.rel @p1 .LBB2_6-.Ltmp3, $4  }
0x81: {  	s30 =	sor.u32 s21, s4;
	[tilespmem:$0x100D0] =	vst v2  }
0x82: {  	s22 =	sshrl.u32 s30, $0x3;
	[tilespmem:$0x100E0] =	vst v1  }
0x83: {  	s31 =	sadd.s32 s3, s22;
	[tilespmem:$0x100F0] =	vst v7  }
0x84: {  	[hbm4b:s31+s11] =	stream.strided.scatter [tilespmem:s12], [sflag:$0x3], $0x4000, s12, s11, $0x38;
	[tilespmem:$0x10100] =	vst v63  }
.Ltmp4:
0x85: {  	(pc) =	sbr.rel .LBB2_7-.Ltmp4, $4  }
0x86: {  	_ = 	snop  }
0x87: {  	_ =	swait.ge [sflag:s15], $0x4000  }
0x88: {  	[sflag:s15] =	ssyncset.done $0x0  }
0x89: {  	[sflag:s15] =	ssyncadd.s32 $0xFFFFC000  }
.LBB2_6:
0x8a: {  	s23 =	sadd.s32 s21, s8  }
0x8b: {  	s23 =	sshrl.u32 s23, $0x3  }
.Ltmp5:
0x8c: {  	s23 =	sadd.s32 s2, s23;
	(pc) =	sbr.rel @p0 .LBB2_8-.Ltmp5, $4  }
0x8d: {  	[tilespmem:s5], [sflag:$0x1] =	stream.strided.gather [hbm4b:s23+s11], $0x4000, s12, s11, $0x38;
	[tilespmem:$0x10100] =	vst v63  }
0x8e: {  	_ =	swait.ge [sflag:s15], $0x4000  }
0x8f: {  	[sflag:s15] =	ssyncset.done $0x0  }
0x90: {  	[sflag:s15] =	ssyncadd.s32 $0xFFFFC000  }
.LBB2_7:
0x91: {  	_ =	swait.ge [sflag:s16], $0x4000  }
0x92: {  	[sflag:s16] =	ssyncset.done $0x0  }
0x93: {  	[sflag:s16] =	ssyncadd.s32 $0xFFFFC000  }
.LBB2_8:
0x94: {  	v8 =	vld [tilespmem:$0x10000]  }
0x95: {  	v9 =	vld [tilespmem:$0x10010]  }
0x96: {  	v10 =	vld [tilespmem:$0x10020]  }
0x97: {  	v11 =	vld [tilespmem:$0x10030]  }
0x98: {  	v12 =	vld [tilespmem:$0x10040]  }
0x99: {  	v13 =	vld [tilespmem:$0x10050]  }
0x9a: {  	v15 =	vld [tilespmem:$0x10060]  }
0x9b: {  	v16 =	vld [tilespmem:$0x10070]  }
0x9c: {  	v21 =	vld [tilespmem:$0x10080]  }
0x9d: {  	v6 =	vld [tilespmem:$0x10090]  }
0x9e: {  	v5 =	vld [tilespmem:$0x100A0]  }
0x9f: {  	v4 =	vld [tilespmem:$0x100B0]  }
0xa0: {  	v3 =	vld [tilespmem:$0x100C0]  }
0xa1: {  	v2 =	vld [tilespmem:$0x100D0];
	s23 =	simm.s32 $0x0  }
0xa2: {  	v1 =	vld [tilespmem:$0x100E0];
	s24 =	sand.u32 $0x3800, s23;
	s23 =	sand.u32 $0x380, s23  }
0xa3: {  	v7 =	vld [tilespmem:$0x100F0];
	s23 =	sor.u32 s23, s24  }
0xa4: {  	v14 =	vld [tilespmem:s23+$0x4470]  }
0xa5: {  	v17 =	vld [tilespmem:s23+$0x4000]  }
0xa6: {  	v18 =	vld [tilespmem:s23+$0x4010]  }
0xa7: {  	v19 =	vld [tilespmem:s23+$0x4020]  }
0xa8: {  	v20 =	vld [tilespmem:s23+$0x4030]  }
0xa9: {  	v22 =	vld [tilespmem:s23+$0x4040];
	v7 =	vadd.f32 v14, v7  }
0xaa: {  	v23 =	vld [tilespmem:s23+$0x4050];
	v8 =	vadd.f32 v17, v8  }
0xab: {  	v24 =	vld [tilespmem:s23+$0x4060];
	v14 =	vadd.f32 v18, v9;
	[tilespmem:s23+$0xC470] =	vst v7  }
0xac: {  	v25 =	vld [tilespmem:s23+$0x4070];
	v9 =	vadd.f32 v19, v10;
	[tilespmem:s23+$0xC000] =	vst v8  }
0xad: {  	v26 =	vld [tilespmem:s23+$0x4400];
	v10 =	vadd.f32 v20, v11;
	[tilespmem:s23+$0xC010] =	vst v14  }
0xae: {  	v20 =	vld [tilespmem:s23+$0x4410];
	v11 =	vadd.f32 v22, v12;
	[tilespmem:s23+$0xC020] =	vst v9  }
0xaf: {  	v17 =	vld [tilespmem:s23+$0x4420];
	v12 =	vadd.f32 v23, v13;
	[tilespmem:s23+$0xC030] =	vst v10  }
0xb0: {  	v18 =	vld [tilespmem:s23+$0x4430];
	v13 =	vadd.f32 v24, v15;
	[tilespmem:s23+$0xC040] =	vst v11  }
0xb1: {  	s25 =	simm.s32 $0x100;
	s24 =	simm.s32 $0x80;
	v19 =	vld [tilespmem:s23+$0x4440];
	v15 =	vadd.f32 v25, v16;
	[tilespmem:s23+$0xC050] =	vst v12  }
0xb2: {  	s26 =	sand.u32 $0x3800, s25;
	s25 =	simm.s32 $0x200;
	s28 =	sand.u32 $0x380, s24;
	v16 =	vadd.f32 v26, v21;
	v21 =	vld [tilespmem:s23+$0x4450];
	[tilespmem:s23+$0xC060] =	vst v13  }
.LBB2_9:
0xb3: {  	p0 =	sne.s32 s25, $0x3F00;
	s26 =	sor.u32 s28, s26;
	[tilespmem:s23+$0xC070] =	vst v15;
	v6 =	vadd.f32 v20, v6;
	v20 =	vld [tilespmem:s23+$0x4460]  }
0xb4: {  	v22 =	vld [tilespmem:s26+$0x4470];
	[tilespmem:s23+$0xC400] =	vst v16;
	v5 =	vadd.f32 v17, v5  }
0xb5: {  	v17 =	vld [tilespmem:s26+$0x4000];
	[tilespmem:s23+$0xC410] =	vst v6;
	v4 =	vadd.f32 v18, v4  }
0xb6: {  	v18 =	vld [tilespmem:s26+$0x4010];
	[tilespmem:s23+$0xC420] =	vst v5;
	v3 =	vadd.f32 v19, v3  }
0xb7: {  	v19 =	vld [tilespmem:s26+$0x4020];
	[tilespmem:s23+$0xC430] =	vst v4;
	v2 =	vadd.f32 v21, v2  }
0xb8: {  	v21 =	vld [tilespmem:s26+$0x4030];
	[tilespmem:s23+$0xC440] =	vst v3;
	v1 =	vadd.f32 v20, v1  }
0xb9: {  	v20 =	vld [tilespmem:s26+$0x4040];
	v7 =	vadd.f32 v22, v7;
	[tilespmem:s23+$0xC450] =	vst v2  }
0xba: {  	v8 =	vadd.f32 v17, v8;
	v17 =	vld [tilespmem:s26+$0x4050];
	[tilespmem:s23+$0xC460] =	vst v1;
	s23 =	smov.u32 s26  }
0xbb: {  	v14 =	vadd.f32 v18, v14;
	v18 =	vld [tilespmem:s23+$0x4060];
	[tilespmem:s23+$0xC470] =	vst v7  }
0xbc: {  	[tilespmem:s23+$0xC000] =	vst v8;
	v9 =	vadd.f32 v19, v9;
	v19 =	vld [tilespmem:s23+$0x4070]  }
0xbd: {  	[tilespmem:s23+$0xC010] =	vst v14;
	v10 =	vadd.f32 v21, v10;
	v21 =	vld [tilespmem:s23+$0x4400]  }
.Ltmp6:
0xbe: {  	[tilespmem:s23+$0xC020] =	vst v9;
	v11 =	vadd.f32 v20, v11;
	v20 =	vld [tilespmem:s23+$0x4410];
	(pc) =	sbr.rel @p0 .LBB2_9-.Ltmp6, $4  }
0xbf: {  	[tilespmem:s23+$0xC030] =	vst v10;
	v12 =	vadd.f32 v17, v12;
	v17 =	vld [tilespmem:s23+$0x4420]  }
0xc0: {  	[tilespmem:s23+$0xC040] =	vst v11;
	v13 =	vadd.f32 v18, v13;
	v18 =	vld [tilespmem:s23+$0x4430]  }
0xc1: {  	s24 =	sadd.s32 $0x80, s24;
	[tilespmem:s23+$0xC050] =	vst v12;
	v15 =	vadd.f32 v19, v15;
	v19 =	vld [tilespmem:s23+$0x4440]  }
0xc2: {  	s28 =	sand.u32 $0x380, s24;
	s26 =	sand.u32 $0x3800, s25;
	s25 =	sadd.s32 $0x100, s25;
	[tilespmem:s23+$0xC060] =	vst v13;
	v16 =	vadd.f32 v21, v16;
	v21 =	vld [tilespmem:s23+$0x4450]  }
0xc3: {  	[tilespmem:s23+$0xC070] =	vst v15;
	s24 =	sor.u32 s28, s26;
	v22 =	vld [tilespmem:s23+$0x4460];
	v6 =	vadd.f32 v20, v6  }
0xc4: {  	v23 =	vld [tilespmem:s24+$0x4470];
	[tilespmem:s23+$0xC400] =	vst v16;
	v5 =	vadd.f32 v17, v5  }
0xc5: {  	v47 =	vld [tilespmem:s24+$0x4000];
	[tilespmem:s23+$0xC410] =	vst v6;
	v4 =	vadd.f32 v18, v4  }
0xc6: {  	v48 =	vld [tilespmem:s24+$0x4010];
	[tilespmem:s23+$0xC420] =	vst v5;
	v3 =	vadd.f32 v19, v3  }
0xc7: {  	v49 =	vld [tilespmem:s24+$0x4020];
	[tilespmem:s23+$0xC430] =	vst v4;
	v2 =	vadd.f32 v21, v2  }
0xc8: {  	v50 =	vld [tilespmem:s24+$0x4030];
	[tilespmem:s23+$0xC440] =	vst v3;
	v1 =	vadd.f32 v22, v1  }
0xc9: {  	v51 =	vld [tilespmem:s24+$0x4040];
	[tilespmem:s23+$0xC450] =	vst v2;
	v7 =	vadd.f32 v23, v7  }
0xca: {  	v52 =	vld [tilespmem:s24+$0x4050];
	v8 =	vadd.f32 v47, v8;
	[tilespmem:s23+$0xC460] =	vst v1  }
0xcb: {  	v14 =	vadd.f32 v48, v14;
	v53 =	vld [tilespmem:s24+$0x4060];
	[tilespmem:s24+$0xC470] =	vst v7  }
0xcc: {  	v54 =	vld [tilespmem:s24+$0x4070];
	[tilespmem:s24+$0xC000] =	vst v8;
	v9 =	vadd.f32 v49, v9  }
0xcd: {  	v55 =	vld [tilespmem:s24+$0x4400];
	[tilespmem:s24+$0xC010] =	vst v14;
	v10 =	vadd.f32 v50, v10  }
0xce: {  	v56 =	vld [tilespmem:s24+$0x4410];
	[tilespmem:s24+$0xC020] =	vst v9;
	v11 =	vadd.f32 v51, v11  }
0xcf: {  	v57 =	vld [tilespmem:s24+$0x4420];
	[tilespmem:s24+$0xC030] =	vst v10;
	v12 =	vadd.f32 v52, v12  }
0xd0: {  	v58 =	vld [tilespmem:s24+$0x4430];
	[tilespmem:s24+$0xC040] =	vst v11;
	v13 =	vadd.f32 v53, v13  }
0xd1: {  	v60 =	vld [tilespmem:s24+$0x4440];
	v59 =	vadd.f32 v54, v15;
	[tilespmem:s24+$0xC050] =	vst v12  }
0xd2: {  	v62 =	vld [tilespmem:s24+$0x4450];
	v61 =	vadd.f32 v55, v16;
	[tilespmem:s24+$0xC060] =	vst v13  }
0xd3: {  	v63 =	vld [tilespmem:s24+$0x4460];
	v6 =	vadd.f32 v56, v6;
	[tilespmem:s24+$0xC070] =	vst v59  }
0xd4: {  	v5 =	vadd.f32 v57, v5;
	[tilespmem:s24+$0xC400] =	vst v61  }
0xd5: {  	v4 =	vadd.f32 v58, v4;
	[tilespmem:s24+$0xC410] =	vst v6  }
0xd6: {  	v3 =	vadd.f32 v60, v3;
	[tilespmem:s24+$0xC420] =	vst v5  }
0xd7: {  	v2 =	vadd.f32 v62, v2;
	[tilespmem:s24+$0xC430] =	vst v4  }
0xd8: {  	v1 =	vadd.f32 v63, v1;
	[tilespmem:s24+$0xC440] =	vst v3  }
0xd9: {  	[tilespmem:s24+$0xC450] =	vst v2  }
0xda: {  	[tilespmem:s24+$0xC460] =	vst v1  }
0xdb: {  	[tilespmem:$0x10000] =	vst v8  }
0xdc: {  	[tilespmem:$0x10010] =	vst v14  }
0xdd: {  	[tilespmem:$0x10020] =	vst v9  }
0xde: {  	[tilespmem:$0x10030] =	vst v10  }
0xdf: {  	[tilespmem:$0x10040] =	vst v11  }
0xe0: {  	[tilespmem:$0x10050] =	vst v12  }
0xe1: {  	[tilespmem:$0x10060] =	vst v13  }
0xe2: {  	[tilespmem:$0x10070] =	vst v59  }
0xe3: {  	[tilespmem:$0x10080] =	vst v61  }
0xe4: {  	[tilespmem:$0x10090] =	vst v6  }
0xe5: {  	[tilespmem:$0x100A0] =	vst v5  }
0xe6: {  	p0 =	seq.s32 s20, $0x1F;
	[tilespmem:$0x100B0] =	vst v4  }
.Ltmp7:
0xe7: {  	[tilespmem:$0x100C0] =	vst v3;
	(pc) =	sbr.rel @p0 .LBB2_12-.Ltmp7, $4  }
0xe8: {  	[tilespmem:$0x100D0] =	vst v2  }
0xe9: {  	s22 =	sor.u32 $0x8000, s22;
	[tilespmem:$0x100E0] =	vst v1  }
0xea: {  	s22 =	sadd.s32 s3, s22;
	[tilespmem:$0x100F0] =	vst v7  }
0xeb: {  	[hbm4b:s22+s11] =	stream.strided.scatter [tilespmem:s17], [sflag:$0x4], $0x4000, s12, s11, $0x38;
	[tilespmem:$0x10100] =	vst v63  }
.Ltmp8:
0xec: {  	(pc) =	sbr.rel .LBB2_2-.Ltmp8, $4  }
0xed: {  	s21 =	sadd.s32 s21, s9  }
0xee: {  	s21 =	sshrl.u32 s21, $0x3  }
0xef: {  	s20 =	sadd.s32 $0x1, s20;
	s21 =	sadd.s32 s2, s21  }
0xf0: {  	[tilespmem:s13], [sflag:$0x2] =	stream.strided.gather [hbm4b:s21+s11], $0x4000, s12, s11, $0x38;
	[tilespmem:$0x10100] =	vst v63  }
.LBB2_13:
0xf1: {  	_ =	sfence.sel $0x180000  }
0xf2: {  	[bflag:$0x0] =	sbarrier.arrive $0xFFFF  }
0xf3: {  	p0 =	sne.s32 s0, $0x0;
	_ =	strace $0x90000047  }
0xf4: {  	s0 =	sadd.s32 @!p0 $0x100000, s1;
	[bflag:$0x2] =	sbarrier.arrive $0xFFFF  }
0xf5: {  	[sflag:s0] =	ssyncadd.tile.s32 @!p0 $0x1;
	_ =	shalt  }
.Lfunc_end2:
_tile_overlayer_lowered:
.L_overlay_start_2:
0xf6: {  	(tag) =	ssettag $0x2  }
0xf7: {  	s0 =	rddreg [dreg:$0x0];
	s2 =	stileid.u32  }
0xf8: {  	s1 =	rddreg [dreg:$0x1];
	p0 =	sne.s32 s2, $0x0  }
0xf9: {  	s3 =	rddreg [dreg:$0x2];
	[bflag:$0x3] =	sbarrier.arrive $0xFFFF;
	s2 =	simm.s32 @!p0 $0x1C05  }
0xfa: {  	[timem:s3], [sflag:s2] =	dma.local @!p0 [hbm:s0], s1  }
0xfb: {  	s0 =	simm.s32 @!p0 $0x5  }
0xfc: {  	_ =	swait.ge @!p0 [sflag:s0], s1  }
0xfd: {  	s1 =	ssub.s32 @!p0 $0x0, s1;
	[sflag:s0] =	ssyncset.done @!p0 $0x0  }
0xfe: {  	[sflag:s0] =	ssyncadd.s32 @!p0 s1  }
0xff: {  	[bflag:$0x3] =	sbarrier.arrive $0xFFFF  }
0x100: {  	_ =	shalt  }

</sc_bundles>
